<compile_context>
chip_gen: v7x
topology: tpu7x:2x2x1
jax: 0.10.2.dev20260603
libtpu: 0.0.44.dev20260713+nightly
codegen_flags: <defaults>
</compile_context>

<pallas_src>
import functools

import jax
import jax.numpy as jnp
from jax import lax
from jax.experimental import pallas as pl
from jax.experimental.pallas import tpu as pltpu
from jax.experimental.pallas import tpu_sc as plsc

N = 10000
E = 160000
D = 256
DE = 16
H = 256
HALF = 128
NTILES = 16
EPT = E // (2 * NTILES) * 2
CHUNK = 80
NCHUNK = 10000 // CHUNK
BLKC = 25
NBLK = NCHUNK // BLKC
GROUPS = HALF // 16



def _pre_body(x_ref, wxs_ref, wxd_ref, xs0_ref, xs1_ref, xd0_ref, xd1_ref):
    xb = x_ref[:]
    ps = jnp.dot(xb, wxs_ref[:], preferred_element_type=jnp.float32)
    pd = jnp.dot(xb, wxd_ref[:], preferred_element_type=jnp.float32)
    xs0_ref[:] = ps[:, :HALF]
    xs1_ref[:] = ps[:, HALF:]
    xd0_ref[:] = pd[:, :HALF]
    xd1_ref[:] = pd[:, HALF:]


def _pre(x, wxs, wxd):
    mb = 1000
    grid = (N // mb,)
    out = jax.ShapeDtypeStruct((N, HALF), jnp.float32)
    return pl.pallas_call(
        _pre_body,
        grid=grid,
        in_specs=[
            pl.BlockSpec((mb, D), lambda i: (i, 0)),
            pl.BlockSpec((D, H), lambda i: (0, 0)),
            pl.BlockSpec((D, H), lambda i: (0, 0)),
        ],
        out_specs=[pl.BlockSpec((mb, HALF), lambda i: (i, 0))] * 4,
        out_shape=[out, out, out, out],
    )(x, wxs, wxd)


def _ea_body(ein_ref, wea_ref, be1_ref, ea0_ref, ea1_ref):
    r = jnp.dot(ein_ref[:], wea_ref[:], preferred_element_type=jnp.float32)
    r = r + be1_ref[:]
    ea0_ref[:] = r[:, :HALF]
    ea1_ref[:] = r[:, HALF:]


def _ea(edge_attr, wea, be1):
    eb = 2000
    grid = (E // eb,)
    out = jax.ShapeDtypeStruct((E, HALF), jnp.float32)
    return pl.pallas_call(
        _ea_body,
        grid=grid,
        in_specs=[
            pl.BlockSpec((eb, DE), lambda i: (i, 0)),
            pl.BlockSpec((DE, H), lambda i: (0, 0)),
            pl.BlockSpec((1, H), lambda i: (0, 0)),
        ],
        out_specs=[pl.BlockSpec((eb, HALF), lambda i: (i, 0))] * 2,
        out_shape=[out, out],
    )(edge_attr, wea, be1)


def _post_body(x_ref, agga_ref, aggb_ref, w1x_ref, w1a_ref, w1b_ref, bn1_ref,
               w2_ref, bn2_ref, out_ref):
    acc = jnp.dot(x_ref[:], w1x_ref[:], preferred_element_type=jnp.float32)
    acc += jnp.dot(agga_ref[:], w1a_ref[:], preferred_element_type=jnp.float32)
    acc += jnp.dot(aggb_ref[:], w1b_ref[:], preferred_element_type=jnp.float32)
    hn = jnp.maximum(acc + bn1_ref[:], 0.0)
    out_ref[:] = jnp.dot(hn, w2_ref[:], preferred_element_type=jnp.float32) + bn2_ref[:]


def _post(x, agga, aggb, w1x, w1a, w1b, bn1, w2p, bn2p):
    mb = 1000
    grid = (N // mb,)
    return pl.pallas_call(
        _post_body,
        grid=grid,
        in_specs=[
            pl.BlockSpec((mb, D), lambda i: (i, 0)),
            pl.BlockSpec((mb, HALF), lambda i: (i, 0)),
            pl.BlockSpec((mb, HALF), lambda i: (i, 0)),
            pl.BlockSpec((D, H), lambda i: (0, 0)),
            pl.BlockSpec((HALF, H), lambda i: (0, 0)),
            pl.BlockSpec((HALF, H), lambda i: (0, 0)),
            pl.BlockSpec((1, H), lambda i: (0, 0)),
            pl.BlockSpec((H, HALF), lambda i: (0, 0)),
            pl.BlockSpec((1, HALF), lambda i: (0, 0)),
        ],
        out_specs=pl.BlockSpec((mb, HALF), lambda i: (i, 0)),
        out_shape=jax.ShapeDtypeStruct((N, HALF), jnp.float32),
    )(x, agga, aggb, w1x, w1a, w1b, bn1, w2p, bn2p)



def _hsum(a):
    lanes = lax.iota(jnp.int32, 16)
    for sh in (8, 4, 2, 1):
        a = a + jnp.take(a, lanes ^ sh)
    return a

def _sc_core_loop(core, s, xs_hbm, xd_hbm, ea_hbm, src_r, w2t_hbm,
                  out_agg, out_ep,
                  idx_src, rows_a, rows_b, h_v, ep0_v,
                  w0_v, w1_v, agg_sh, sem0, sem1):
    pltpu.sync_copy(w2t_hbm.at[0, pl.ds(core * HALF, HALF)], w0_v)
    pltpu.sync_copy(w2t_hbm.at[1, pl.ds(core * HALF, HALF)], w1_v)
    w0s = [w0_v[pl.ds(g * 16, 16)] for g in range(GROUPS)]
    w1s = [w1_v[pl.ds(g * 16, 16)] for g in range(GROUPS)]
    lanes = lax.iota(jnp.int32, 16)
    zero16 = jnp.zeros((16,), jnp.float32)

    def chunk_body(k, _):
        blk = k // BLKC
        lc = k - blk * BLKC

        @pl.when(lc == 0)
        def _():
            pltpu.sync_copy(src_r.at[s, blk], idx_src)

        cp_a = pltpu.async_copy(xs_hbm.at[idx_src.at[2 * lc]], rows_a, sem0)
        cp_b = pltpu.async_copy(xd_hbm.at[idx_src.at[2 * lc + 1]], rows_b,
                                sem1)
        pltpu.sync_copy(ea_hbm.at[pl.ds(s * EPT + k * CHUNK, CHUNK)], h_v)
        cp_a.wait()
        cp_b.wait()

        def block_body(j, _):
            def edge_body(t, carry):
                r0, r1 = carry
                e = j * 16 + t
                acc0 = zero16
                acc1 = zero16
                for g in range(GROUPS):
                    sl = pl.ds(g * 16, 16)
                    h = jnp.maximum(
                        rows_a[e, sl] + rows_b[e, sl] + h_v[e, sl], 0.0)
                    h_v[e, sl] = h
                    acc0 = acc0 + h * w0s[g]
                    acc1 = acc1 + h * w1s[g]
                sel = lanes == t
                return (jnp.where(sel, _hsum(acc0), r0),
                        jnp.where(sel, _hsum(acc1), r1))

            r0, r1 = lax.fori_loop(0, 16, edge_body, (zero16, zero16))
            ep0_v[2 * lc, pl.ds(j * 16, 16)] = r0
            ep0_v[2 * lc + 1, pl.ds(j * 16, 16)] = r1
            return 0

        lax.fori_loop(0, CHUNK // 16, block_body, 0)
        pltpu.sync_copy(h_v, agg_sh.at[idx_src.at[2 * lc + 1]], add=True)

        @pl.when(lc == BLKC - 1)
        def _():
            pltpu.sync_copy(ep0_v, out_ep.at[core, s, blk])

        return 0

    lax.fori_loop(0, NCHUNK, chunk_body, 0)


def _sc_body(xs0, xs1, xd0, xd1, ea0, ea1, src_r, w2t, zeros,
             out_agg, out_ep,
             idx_src, rows_a, rows_b, h_v, ep0_v,
             w0_v, w1_v, agg_sh, sem0, sem1):
    c = lax.axis_index("c")
    s = lax.axis_index("s")

    @pl.when(s < 10)
    def _():
        pltpu.sync_copy(zeros, agg_sh.at[pl.ds(s * 1000, 1000)])

    plsc.subcore_barrier()

    @pl.when(c == 0)
    def _():
        _sc_core_loop(0, s, xs0, xd0, ea0, src_r, w2t,
                      out_agg, out_ep, idx_src, rows_a, rows_b,
                      h_v, ep0_v, w0_v, w1_v, agg_sh, sem0, sem1)

    @pl.when(c == 1)
    def _():
        _sc_core_loop(1, s, xs1, xd1, ea1, src_r, w2t,
                      out_agg, out_ep, idx_src, rows_a, rows_b,
                      h_v, ep0_v, w0_v, w1_v, agg_sh, sem0, sem1)

    plsc.subcore_barrier()

    @pl.when(jnp.logical_and(c == 0, s < 10))
    def _():
        pltpu.sync_copy(agg_sh.at[pl.ds(s * 1000, 1000)],
                        out_agg.at[0, pl.ds(s * 1000, 1000)])

    @pl.when(jnp.logical_and(c == 1, s < 10))
    def _():
        pltpu.sync_copy(agg_sh.at[pl.ds(s * 1000, 1000)],
                        out_agg.at[1, pl.ds(s * 1000, 1000)])


def _sc_call(xs0, xs1, xd0, xd1, ea0, ea1, src_r, w2t, zeros):
    mesh = plsc.VectorSubcoreMesh(core_axis_name="c", subcore_axis_name="s")
    fn = pl.kernel(
        _sc_body,
        out_type=[
            jax.ShapeDtypeStruct((2, N, HALF), jnp.float32),
            jax.ShapeDtypeStruct((2, NTILES, NBLK, 2 * BLKC, CHUNK),
                                 jnp.float32),
        ],
        mesh=mesh,
        scratch_types=[
            pltpu.VMEM((2 * BLKC, CHUNK), jnp.int32),
            pltpu.VMEM((CHUNK, HALF), jnp.float32),
            pltpu.VMEM((CHUNK, HALF), jnp.float32),
            pltpu.VMEM((CHUNK, HALF), jnp.float32),
            pltpu.VMEM((2 * BLKC, CHUNK), jnp.float32),
            pltpu.VMEM((HALF,), jnp.float32),
            pltpu.VMEM((HALF,), jnp.float32),
            pltpu.VMEM_SHARED((N, HALF), jnp.float32),
            pltpu.SemaphoreType.DMA,
            pltpu.SemaphoreType.DMA,
        ],
    )
    return fn(xs0, xs1, xd0, xd1, ea0, ea1, src_r, w2t, zeros)



@jax.jit
def kernel(x, edge_index, edge_attr, We1, be1, We2, be2, Wn1, bn1, Wn2, bn2):
    wxs = We1[:D]
    wxd = We1[D:2 * D]
    wea = We1[2 * D:]

    xs0, xs1, xd0, xd1 = _pre(x, wxs, wxd)
    ea0, ea1 = _ea(edge_attr, wea, be1.reshape(1, H))

    src_r = (edge_index.reshape(2, NTILES, NBLK, BLKC, CHUNK)
             .transpose(1, 2, 3, 0, 4).reshape(NTILES, NBLK, 2 * BLKC, CHUNK))
    w2t = We2.T.reshape(2, H)
    zeros = jnp.zeros((1000, HALF), jnp.float32)

    out_agg, out_ep = _sc_call(xs0, xs1, xd0, xd1, ea0, ea1,
                               src_r, w2t, zeros)

    epsum = (out_ep[0] + out_ep[1]).reshape(NTILES, NBLK, BLKC, 2, CHUNK)
    ep = jnp.moveaxis(epsum, 3, 0).reshape(2, E)
    edge_pred = ep.T + be2

    w1x = Wn1[:D]
    w1a = Wn1[D:D + HALF]
    w1b = Wn1[D + HALF:]
    w2p = jnp.zeros((H, HALF), jnp.float32).at[:, :Wn2.shape[1]].set(Wn2)
    bn2p = jnp.zeros((1, HALF), jnp.float32).at[0, :bn2.shape[0]].set(bn2)
    node_full = _post(x, out_agg[0], out_agg[1], w1x, w1a, w1b,
                      bn1.reshape(1, H), w2p, bn2p)
    node_pred = node_full[:, :Wn2.shape[1]]
    return node_pred, edge_pred

# --- scband reference (transcript-rebuilt; emitter-appended) ---
"""Pipeline reference for scband-particle-net-31945966748246 (READ-ONLY COPY).

The authoritative reference and input builder live on the scoring server;
editing this copy changes nothing except your own understanding.
"""

import jax, jax.numpy as jnp
import numpy as np

N = 10000     # n_nodes (clusters)
E = 160000    # n_edges
D = 256       # node feature dim
DE = 16       # edge feature dim
H = 256       # hidden dim
NODE_OUT = 5  # node_pred classes
EDGE_OUT = 2  # edge_pred classes (on/off edge)


def setup_inputs(seed: int = 0) -> dict:
    key = jax.random.key(seed)
    ks = jax.random.split(key, 12)
    x = jax.random.normal(ks[0], (N, D), dtype=jnp.float32)
    # int64 per spec; jax defaults to int32 without x64 which is value-equivalent here
    edge_index = jax.random.randint(ks[1], (2, E), 0, N, dtype=jnp.int32)
    edge_attr = jax.random.normal(ks[2], (E, DE), dtype=jnp.float32)
    # Learned parameters: edge MLP (MetaLayer EdgeModel) and node MLP (NodeModel)
    We1 = jax.random.normal(ks[3], (2 * D + DE, H), dtype=jnp.float32) * 0.05
    be1 = jnp.zeros((H,), dtype=jnp.float32)
    We2 = jax.random.normal(ks[4], (H, EDGE_OUT), dtype=jnp.float32) * 0.05
    be2 = jnp.zeros((EDGE_OUT,), dtype=jnp.float32)
    Wn1 = jax.random.normal(ks[5], (D + H, H), dtype=jnp.float32) * 0.05
    bn1 = jnp.zeros((H,), dtype=jnp.float32)
    Wn2 = jax.random.normal(ks[6], (H, NODE_OUT), dtype=jnp.float32) * 0.05
    bn2 = jnp.zeros((NODE_OUT,), dtype=jnp.float32)
    return {"x": x, "edge_index": edge_index, "edge_attr": edge_attr,
            "We1": We1, "be1": be1, "We2": We2, "be2": be2,
            "Wn1": Wn1, "bn1": bn1, "Wn2": Wn2, "bn2": bn2}


def reference(x, edge_index, edge_attr, We1, be1, We2, be2, Wn1, bn1, Wn2, bn2):
    # Core ParticleNet GNN pass (MetaLayer-style):
    # edge model: gather endpoint node features + geometric edge features -> MLP
    src = edge_index[0]
    dst = edge_index[1]
    e_in = jnp.concatenate([jnp.take(x, src, axis=0), jnp.take(x, dst, axis=0), edge_attr], axis=-1)
    h_e = jax.nn.relu(e_in @ We1 + be1)          # [E, H]
    edge_pred = h_e @ We2 + be2                   # [E, EDGE_OUT]
    # node model: scatter-add edge messages to destination nodes, then MLP
    agg = jax.ops.segment_sum(h_e, dst, num_segments=x.shape[0])  # [N, H]
    n_in = jnp.concatenate([x, agg], axis=-1)
    h_n = jax.nn.relu(n_in @ Wn1 + bn1)
    node_pred = h_n @ Wn2 + bn2                   # [N, NODE_OUT]
    return node_pred, edge_pred

if __name__ == "__main__":
    import jax
    _d = setup_inputs()
    print(jax.jit(kernel)(*tuple(_d.values())))

</pallas_src>

<mosaic_0001>
#map = affine_map<(d0, d1) -> (0, 0)>
#map1 = affine_map<(d0, d1) -> (0, 0, 0, 0)>
#map2 = affine_map<(d0, d1) -> (0, 0, 0)>
#map3 = affine_map<(d0, d1) -> (0, 0, 0, 0, 0)>
module attributes {stable_mosaic.version = 14 : i64} {
  func.func @_sc_body(%arg0: i32, %arg1: i32, %arg2: memref<10000x128xf32, #tpu.memory_space<hbm>>, %arg3: memref<10000x128xf32, #tpu.memory_space<hbm>>, %arg4: memref<10000x128xf32, #tpu.memory_space<hbm>>, %arg5: memref<10000x128xf32, #tpu.memory_space<hbm>>, %arg6: memref<160000x128xf32, #tpu.memory_space<hbm>>, %arg7: memref<160000x128xf32, #tpu.memory_space<hbm>>, %arg8: memref<16x5x50x80xi32, #tpu.memory_space<hbm>>, %arg9: memref<2x256xf32, #tpu.memory_space<hbm>>, %arg10: memref<1000x128xf32, #tpu.memory_space<hbm>>, %arg11: memref<2x10000x128xf32, #tpu.memory_space<hbm>>, %arg12: memref<2x16x5x50x80xf32, #tpu.memory_space<hbm>>, %arg13: memref<50x80xi32, #tpu.memory_space<vmem>>, %arg14: memref<80x128xf32, #tpu.memory_space<vmem>>, %arg15: memref<80x128xf32, #tpu.memory_space<vmem>>, %arg16: memref<80x128xf32, #tpu.memory_space<vmem>>, %arg17: memref<50x80xf32, #tpu.memory_space<vmem>>, %arg18: memref<128xf32, #tpu.memory_space<vmem>>, %arg19: memref<128xf32, #tpu.memory_space<vmem>>, %arg20: memref<10000x128xf32, #tpu.memory_space<vmem_shared>>, %arg21: memref<!tpu.dma_semaphore, #tpu.memory_space<semaphore_mem>>, %arg22: memref<!tpu.dma_semaphore, #tpu.memory_space<semaphore_mem>>) attributes {dimension_semantics = [#tpu.dimension_semantics<core_parallel>, #tpu.dimension_semantics<subcore_parallel>], iteration_bounds = array<i64: 2, 16>, scalar_prefetch = 0 : i64, scratch_operands = 10 : i64, tpu.core_type = #tpu.core_type<sc_vector_subcore>, window_params = [{transform_indices = #map}, {transform_indices = #map}, {transform_indices = #map}, {transform_indices = #map}, {transform_indices = #map}, {transform_indices = #map}, {transform_indices = #map1}, {transform_indices = #map}, {transform_indices = #map}, {transform_indices = #map2}, {transform_indices = #map3}]} {
    %lt3A = arith.constant 10 : i32
    %lt3A_0 = arith.cmpi slt, %arg1, %lt3A : i32
    %convert_element_type3A = arith.extui %lt3A_0 : i1 to i32
    %cond3A = arith.constant 0 : i32
    %cond3A_1 = arith.cmpi ne, %convert_element_type3A, %cond3A : i32
    scf.if %cond3A_1 {
      %mul3A = arith.constant 1000 : i32
      %mul3A_27 = arith.muli %arg1, %mul3A : i32
      "tpu.region"() ({
        %run_scoped3A = tpu.sem_alloc : memref<!tpu.dma_semaphore, #tpu.memory_space<semaphore_mem>>
        %dma_start3A = arith.constant 0 : i32
        %dma_start3A_28 = tpu.memref_slice %arg20[%mul3A_27, %dma_start3A] : memref<10000x128xf32, #tpu.memory_space<vmem_shared>> -> memref<1000x128xf32, #tpu.memory_space<vmem_shared>>
        tpu.enqueue_dma source(%arg10 : memref<1000x128xf32, #tpu.memory_space<hbm>>) target(%dma_start3A_28 : memref<1000x128xf32, #tpu.memory_space<vmem_shared>>) target_semaphore(%run_scoped3A : memref<!tpu.dma_semaphore, #tpu.memory_space<semaphore_mem>>)
        %dma_wait3A = arith.constant 0 : i32
        %dma_wait3A_29 = tpu.memref_slice %arg20[%mul3A_27, %dma_wait3A] : memref<10000x128xf32, #tpu.memory_space<vmem_shared>> -> memref<1000x128xf32, #tpu.memory_space<vmem_shared>>
        tpu.wait_dma2 semaphore(%run_scoped3A : memref<!tpu.dma_semaphore, #tpu.memory_space<semaphore_mem>>) src(%arg10 : memref<1000x128xf32, #tpu.memory_space<hbm>>) dst(%dma_wait3A_29 : memref<1000x128xf32, #tpu.memory_space<vmem_shared>>)
        tpu.yield
      }) : () -> ()
    } else {
    }
    %barrier3A = arith.constant 0 : index
    tpu.barrier barrier_id(%barrier3A)
    %eq3A = arith.constant 0 : i32
    %eq3A_2 = arith.cmpi eq, %arg0, %eq3A : i32
    %convert_element_type3A_3 = arith.extui %eq3A_2 : i1 to i32
    %cond3A_4 = arith.constant 0 : i32
    %cond3A_5 = arith.cmpi ne, %convert_element_type3A_3, %cond3A_4 : i32
    scf.if %cond3A_5 {
      %run_scoped3A = arith.constant 0 : i32
      "tpu.region"() ({
        %run_scoped3A_82 = tpu.sem_alloc : memref<!tpu.dma_semaphore, #tpu.memory_space<semaphore_mem>>
        %dma_start3A = arith.constant 0 : i32
        %dma_start3A_83 = tpu.memref_slice %arg9[%run_scoped3A, %dma_start3A] : memref<2x256xf32, #tpu.memory_space<hbm>> -> memref<1x128xf32, #tpu.memory_space<hbm>>
        %dma_start3A_84 = tpu.memref_squeeze %dma_start3A_83 : memref<1x128xf32, #tpu.memory_space<hbm>> -> memref<128xf32, #tpu.memory_space<hbm>>
        %dma_start3A_85 = arith.constant 0 : i32
        %dma_start3A_86 = tpu.memref_slice %arg9[%run_scoped3A, %dma_start3A_85] : memref<2x256xf32, #tpu.memory_space<hbm>> -> memref<1x128xf32, #tpu.memory_space<hbm>>
        %dma_start3A_87 = tpu.memref_squeeze %dma_start3A_86 : memref<1x128xf32, #tpu.memory_space<hbm>> -> memref<128xf32, #tpu.memory_space<hbm>>
        tpu.enqueue_dma source(%dma_start3A_87 : memref<128xf32, #tpu.memory_space<hbm>>) target(%arg18 : memref<128xf32, #tpu.memory_space<vmem>>) target_semaphore(%run_scoped3A_82 : memref<!tpu.dma_semaphore, #tpu.memory_space<semaphore_mem>>)
        %dma_wait3A = arith.constant 0 : i32
        %dma_wait3A_88 = tpu.memref_slice %arg9[%run_scoped3A, %dma_wait3A] : memref<2x256xf32, #tpu.memory_space<hbm>> -> memref<1x128xf32, #tpu.memory_space<hbm>>
        %dma_wait3A_89 = tpu.memref_squeeze %dma_wait3A_88 : memref<1x128xf32, #tpu.memory_space<hbm>> -> memref<128xf32, #tpu.memory_space<hbm>>
        %dma_wait3A_90 = arith.constant 0 : i32
        %dma_wait3A_91 = tpu.memref_slice %arg9[%run_scoped3A, %dma_wait3A_90] : memref<2x256xf32, #tpu.memory_space<hbm>> -> memref<1x128xf32, #tpu.memory_space<hbm>>
        %dma_wait3A_92 = tpu.memref_squeeze %dma_wait3A_91 : memref<1x128xf32, #tpu.memory_space<hbm>> -> memref<128xf32, #tpu.memory_space<hbm>>
        tpu.wait_dma2 semaphore(%run_scoped3A_82 : memref<!tpu.dma_semaphore, #tpu.memory_space<semaphore_mem>>) src(%dma_wait3A_92 : memref<128xf32, #tpu.memory_space<hbm>>) dst(%arg18 : memref<128xf32, #tpu.memory_space<vmem>>)
        tpu.yield
      }) : () -> ()
      %run_scoped3A_27 = arith.constant 1 : i32
      "tpu.region"() ({
        %run_scoped3A_82 = tpu.sem_alloc : memref<!tpu.dma_semaphore, #tpu.memory_space<semaphore_mem>>
        %dma_start3A = arith.constant 0 : i32
        %dma_start3A_83 = tpu.memref_slice %arg9[%run_scoped3A_27, %dma_start3A] : memref<2x256xf32, #tpu.memory_space<hbm>> -> memref<1x128xf32, #tpu.memory_space<hbm>>
        %dma_start3A_84 = tpu.memref_squeeze %dma_start3A_83 : memref<1x128xf32, #tpu.memory_space<hbm>> -> memref<128xf32, #tpu.memory_space<hbm>>
        %dma_start3A_85 = arith.constant 0 : i32
        %dma_start3A_86 = tpu.memref_slice %arg9[%run_scoped3A_27, %dma_start3A_85] : memref<2x256xf32, #tpu.memory_space<hbm>> -> memref<1x128xf32, #tpu.memory_space<hbm>>
        %dma_start3A_87 = tpu.memref_squeeze %dma_start3A_86 : memref<1x128xf32, #tpu.memory_space<hbm>> -> memref<128xf32, #tpu.memory_space<hbm>>
        tpu.enqueue_dma source(%dma_start3A_87 : memref<128xf32, #tpu.memory_space<hbm>>) target(%arg19 : memref<128xf32, #tpu.memory_space<vmem>>) target_semaphore(%run_scoped3A_82 : memref<!tpu.dma_semaphore, #tpu.memory_space<semaphore_mem>>)
        %dma_wait3A = arith.constant 0 : i32
        %dma_wait3A_88 = tpu.memref_slice %arg9[%run_scoped3A_27, %dma_wait3A] : memref<2x256xf32, #tpu.memory_space<hbm>> -> memref<1x128xf32, #tpu.memory_space<hbm>>
        %dma_wait3A_89 = tpu.memref_squeeze %dma_wait3A_88 : memref<1x128xf32, #tpu.memory_space<hbm>> -> memref<128xf32, #tpu.memory_space<hbm>>
        %dma_wait3A_90 = arith.constant 0 : i32
        %dma_wait3A_91 = tpu.memref_slice %arg9[%run_scoped3A_27, %dma_wait3A_90] : memref<2x256xf32, #tpu.memory_space<hbm>> -> memref<1x128xf32, #tpu.memory_space<hbm>>
        %dma_wait3A_92 = tpu.memref_squeeze %dma_wait3A_91 : memref<1x128xf32, #tpu.memory_space<hbm>> -> memref<128xf32, #tpu.memory_space<hbm>>
        tpu.wait_dma2 semaphore(%run_scoped3A_82 : memref<!tpu.dma_semaphore, #tpu.memory_space<semaphore_mem>>) src(%dma_wait3A_92 : memref<128xf32, #tpu.memory_space<hbm>>) dst(%arg19 : memref<128xf32, #tpu.memory_space<vmem>>)
        tpu.yield
      }) : () -> ()
      %get3A = arith.constant 0 : index
      %get3A_28 = tpu.vector_load %arg18[%get3A] {strides = array<i32>} : memref<128xf32, #tpu.memory_space<vmem>>, vector<16xf32>,
      %get3A_29 = vector.shape_cast %get3A_28 : vector<16xf32> to vector<16xf32>
      %get3A_30 = arith.constant 16 : index
      %get3A_31 = tpu.vector_load %arg18[%get3A_30] {strides = array<i32>} : memref<128xf32, #tpu.memory_space<vmem>>, vector<16xf32>,
      %get3A_32 = vector.shape_cast %get3A_31 : vector<16xf32> to vector<16xf32>
      %get3A_33 = arith.constant 32 : index
      %get3A_34 = tpu.vector_load %arg18[%get3A_33] {strides = array<i32>} : memref<128xf32, #tpu.memory_space<vmem>>, vector<16xf32>,
      %get3A_35 = vector.shape_cast %get3A_34 : vector<16xf32> to vector<16xf32>
      %get3A_36 = arith.constant 48 : index
      %get3A_37 = tpu.vector_load %arg18[%get3A_36] {strides = array<i32>} : memref<128xf32, #tpu.memory_space<vmem>>, vector<16xf32>,
      %get3A_38 = vector.shape_cast %get3A_37 : vector<16xf32> to vector<16xf32>
      %get3A_39 = arith.constant 64 : index
      %get3A_40 = tpu.vector_load %arg18[%get3A_39] {strides = array<i32>} : memref<128xf32, #tpu.memory_space<vmem>>, vector<16xf32>,
      %get3A_41 = vector.shape_cast %get3A_40 : vector<16xf32> to vector<16xf32>
      %get3A_42 = arith.constant 80 : index
      %get3A_43 = tpu.vector_load %arg18[%get3A_42] {strides = array<i32>} : memref<128xf32, #tpu.memory_space<vmem>>, vector<16xf32>,
      %get3A_44 = vector.shape_cast %get3A_43 : vector<16xf32> to vector<16xf32>
      %get3A_45 = arith.constant 96 : index
      %get3A_46 = tpu.vector_load %arg18[%get3A_45] {strides = array<i32>} : memref<128xf32, #tpu.memory_space<vmem>>, vector<16xf32>,
      %get3A_47 = vector.shape_cast %get3A_46 : vector<16xf32> to vector<16xf32>
      %get3A_48 = arith.constant 112 : index
      %get3A_49 = tpu.vector_load %arg18[%get3A_48] {strides = array<i32>} : memref<128xf32, #tpu.memory_space<vmem>>, vector<16xf32>,
      %get3A_50 = vector.shape_cast %get3A_49 : vector<16xf32> to vector<16xf32>
      %get3A_51 = arith.constant 0 : index
      %get3A_52 = tpu.vector_load %arg19[%get3A_51] {strides = array<i32>} : memref<128xf32, #tpu.memory_space<vmem>>, vector<16xf32>,
      %get3A_53 = vector.shape_cast %get3A_52 : vector<16xf32> to vector<16xf32>
      %get3A_54 = arith.constant 16 : index
      %get3A_55 = tpu.vector_load %arg19[%get3A_54] {strides = array<i32>} : memref<128xf32, #tpu.memory_space<vmem>>, vector<16xf32>,
      %get3A_56 = vector.shape_cast %get3A_55 : vector<16xf32> to vector<16xf32>
      %get3A_57 = arith.constant 32 : index
      %get3A_58 = tpu.vector_load %arg19[%get3A_57] {strides = array<i32>} : memref<128xf32, #tpu.memory_space<vmem>>, vector<16xf32>,
      %get3A_59 = vector.shape_cast %get3A_58 : vector<16xf32> to vector<16xf32>
      %get3A_60 = arith.constant 48 : index
      %get3A_61 = tpu.vector_load %arg19[%get3A_60] {strides = array<i32>} : memref<128xf32, #tpu.memory_space<vmem>>, vector<16xf32>,
      %get3A_62 = vector.shape_cast %get3A_61 : vector<16xf32> to vector<16xf32>
      %get3A_63 = arith.constant 64 : index
      %get3A_64 = tpu.vector_load %arg19[%get3A_63] {strides = array<i32>} : memref<128xf32, #tpu.memory_space<vmem>>, vector<16xf32>,
      %get3A_65 = vector.shape_cast %get3A_64 : vector<16xf32> to vector<16xf32>
      %get3A_66 = arith.constant 80 : index
      %get3A_67 = tpu.vector_load %arg19[%get3A_66] {strides = array<i32>} : memref<128xf32, #tpu.memory_space<vmem>>, vector<16xf32>,
      %get3A_68 = vector.shape_cast %get3A_67 : vector<16xf32> to vector<16xf32>
      %get3A_69 = arith.constant 96 : index
      %get3A_70 = tpu.vector_load %arg19[%get3A_69] {strides = array<i32>} : memref<128xf32, #tpu.memory_space<vmem>>, vector<16xf32>,
      %get3A_71 = vector.shape_cast %get3A_70 : vector<16xf32> to vector<16xf32>
      %get3A_72 = arith.constant 112 : index
      %get3A_73 = tpu.vector_load %arg19[%get3A_72] {strides = array<i32>} : memref<128xf32, #tpu.memory_space<vmem>>, vector<16xf32>,
      %get3A_74 = vector.shape_cast %get3A_73 : vector<16xf32> to vector<16xf32>
      %iota3A = tpu.iota {dimensions = array<i32: 0>} : vector<16xi32>
      %broadcast_in_dim3A = arith.constant 0.000000e+00 : f32
      %broadcast_in_dim3A_75 = vector.broadcast %broadcast_in_dim3A : f32 to vector<16xf32>
      %scan3A = arith.constant 0 : i32
      %scan3A_76 = arith.constant 0 : i32
      %scan3A_77 = arith.constant 125 : i32
      %scan3A_78 = arith.addi %scan3A_76, %scan3A_77 : i32
      %scan3A_79 = arith.constant 1 : i32
      %scan3A_80 = scf.for %scan3A_82 = %scan3A_76 to %scan3A_78 step %scan3A_79 iter_args(%scan3A_83 = %scan3A) -> (i32)  : i32 {
        %jit3A = arith.constant 25 : i32
        %div3A = arith.divsi %scan3A_82, %jit3A : i32
        %sign3A = arith.constant 0 : i32
        %sign3A_84 = arith.cmpi sgt, %scan3A_82, %sign3A : i32
        %sign3A_85 = arith.extui %sign3A_84 : i1 to i32
        %sign3A_86 = arith.constant 0 : i32
        %sign3A_87 = arith.cmpi slt, %scan3A_82, %sign3A_86 : i32
        %sign3A_88 = arith.extui %sign3A_87 : i1 to i32
        %sign3A_89 = arith.subi %sign3A_85, %sign3A_88 : i32
        %sign3A_90 = arith.constant 0 : i32
        %sign3A_91 = arith.cmpi sgt, %jit3A, %sign3A_90 : i32
        %sign3A_92 = arith.extui %sign3A_91 : i1 to i32
        %sign3A_93 = arith.constant 0 : i32
        %sign3A_94 = arith.cmpi slt, %jit3A, %sign3A_93 : i32
        %sign3A_95 = arith.extui %sign3A_94 : i1 to i32
        %sign3A_96 = arith.subi %sign3A_92, %sign3A_95 : i32
        %ne3A = arith.cmpi ne, %sign3A_89, %sign3A_96 : i32
        %rem3A = arith.remsi %scan3A_82, %jit3A : i32
        %ne3A_97 = arith.constant 0 : i32
        %ne3A_98 = arith.cmpi ne, %rem3A, %ne3A_97 : i32
        %and3A_99 = arith.andi %ne3A, %ne3A_98 : i1
        %sub3A = arith.constant 1 : i32
        %sub3A_100 = arith.subi %div3A, %sub3A : i32
        %select_n3A = arith.select %and3A_99, %sub3A_100, %div3A : i32
        %mul3A = arith.constant 25 : i32
        %mul3A_101 = arith.muli %select_n3A, %mul3A : i32
        %sub3A_102 = arith.subi %scan3A_82, %mul3A_101 : i32
        %eq3A_103 = arith.constant 0 : i32
        %eq3A_104 = arith.cmpi eq, %sub3A_102, %eq3A_103 : i32
        %convert_element_type3A_105 = arith.extui %eq3A_104 : i1 to i32
        %cond3A_106 = arith.constant 0 : i32
        %cond3A_107 = arith.cmpi ne, %convert_element_type3A_105, %cond3A_106 : i32
        scf.if %cond3A_107 {
          "tpu.region"() ({
            %run_scoped3A_157 = tpu.sem_alloc : memref<!tpu.dma_semaphore, #tpu.memory_space<semaphore_mem>>
            %dma_start3A_158 = arith.constant 0 : i32
            %dma_start3A_159 = arith.constant 0 : i32
            %dma_start3A_160 = tpu.memref_slice %arg8[%arg1, %select_n3A, %dma_start3A_158, %dma_start3A_159] : memref<16x5x50x80xi32, #tpu.memory_space<hbm>> -> memref<1x1x50x80xi32, #tpu.memory_space<hbm>>
            %dma_start3A_161 = tpu.memref_squeeze %dma_start3A_160 : memref<1x1x50x80xi32, #tpu.memory_space<hbm>> -> memref<50x80xi32, #tpu.memory_space<hbm>>
            %dma_start3A_162 = arith.constant 0 : i32
            %dma_start3A_163 = arith.constant 0 : i32
            %dma_start3A_164 = tpu.memref_slice %arg8[%arg1, %select_n3A, %dma_start3A_162, %dma_start3A_163] : memref<16x5x50x80xi32, #tpu.memory_space<hbm>> -> memref<1x1x50x80xi32, #tpu.memory_space<hbm>>
            %dma_start3A_165 = tpu.memref_squeeze %dma_start3A_164 : memref<1x1x50x80xi32, #tpu.memory_space<hbm>> -> memref<50x80xi32, #tpu.memory_space<hbm>>
            tpu.enqueue_dma source(%dma_start3A_165 : memref<50x80xi32, #tpu.memory_space<hbm>>) target(%arg13 : memref<50x80xi32, #tpu.memory_space<vmem>>) target_semaphore(%run_scoped3A_157 : memref<!tpu.dma_semaphore, #tpu.memory_space<semaphore_mem>>)
            %dma_wait3A_166 = arith.constant 0 : i32
            %dma_wait3A_167 = arith.constant 0 : i32
            %dma_wait3A_168 = tpu.memref_slice %arg8[%arg1, %select_n3A, %dma_wait3A_166, %dma_wait3A_167] : memref<16x5x50x80xi32, #tpu.memory_space<hbm>> -> memref<1x1x50x80xi32, #tpu.memory_space<hbm>>
            %dma_wait3A_169 = tpu.memref_squeeze %dma_wait3A_168 : memref<1x1x50x80xi32, #tpu.memory_space<hbm>> -> memref<50x80xi32, #tpu.memory_space<hbm>>
            %dma_wait3A_170 = arith.constant 0 : i32
            %dma_wait3A_171 = arith.constant 0 : i32
            %dma_wait3A_172 = tpu.memref_slice %arg8[%arg1, %select_n3A, %dma_wait3A_170, %dma_wait3A_171] : memref<16x5x50x80xi32, #tpu.memory_space<hbm>> -> memref<1x1x50x80xi32, #tpu.memory_space<hbm>>
            %dma_wait3A_173 = tpu.memref_squeeze %dma_wait3A_172 : memref<1x1x50x80xi32, #tpu.memory_space<hbm>> -> memref<50x80xi32, #tpu.memory_space<hbm>>
            tpu.wait_dma2 semaphore(%run_scoped3A_157 : memref<!tpu.dma_semaphore, #tpu.memory_space<semaphore_mem>>) src(%dma_wait3A_173 : memref<50x80xi32, #tpu.memory_space<hbm>>) dst(%arg13 : memref<50x80xi32, #tpu.memory_space<vmem>>)
            tpu.yield
          }) : () -> ()
        } else {
        }
        %mul3A_108 = arith.constant 2 : i32
        %mul3A_109 = arith.muli %mul3A_108, %sub3A_102 : i32
        %dma_start3A = arith.constant 0 : i32
        %dma_start3A_110 = tpu.memref_slice %arg13[%mul3A_109, %dma_start3A] : memref<50x80xi32, #tpu.memory_space<vmem>> -> memref<1x80xi32, #tpu.memory_space<vmem>>
        %dma_start3A_111 = tpu.memref_squeeze %dma_start3A_110 : memref<1x80xi32, #tpu.memory_space<vmem>> -> memref<80xi32, #tpu.memory_space<vmem>>
        %dma_start3A_112 = arith.constant 0 : i32
        %dma_start3A_113 = arith.constant 0 : i32
        %dma_start3A_114 = tpu.memref_slice %arg2[%dma_start3A_112, %dma_start3A_113] : memref<10000x128xf32, #tpu.memory_space<hbm>> -> memref<10000x128xf32, #tpu.memory_space<hbm>>
        tpu.enqueue_indirect_dma source(%dma_start3A_114 : memref<10000x128xf32, #tpu.memory_space<hbm>>) target(%arg14 : memref<80x128xf32, #tpu.memory_space<vmem>>) offsets(%dma_start3A_111 : memref<80xi32, #tpu.memory_space<vmem>>) semaphore(%arg21 : memref<!tpu.dma_semaphore, #tpu.memory_space<semaphore_mem>>)
        %mul3A_115 = arith.constant 2 : i32
        %mul3A_116 = arith.muli %mul3A_115, %sub3A_102 : i32
        %add3A = arith.constant 1 : i32
        %add3A_117 = arith.addi %mul3A_116, %add3A : i32
        %dma_start3A_118 = arith.constant 0 : i32
        %dma_start3A_119 = tpu.memref_slice %arg13[%add3A_117, %dma_start3A_118] : memref<50x80xi32, #tpu.memory_space<vmem>> -> memref<1x80xi32, #tpu.memory_space<vmem>>
        %dma_start3A_120 = tpu.memref_squeeze %dma_start3A_119 : memref<1x80xi32, #tpu.memory_space<vmem>> -> memref<80xi32, #tpu.memory_space<vmem>>
        %dma_start3A_121 = arith.constant 0 : i32
        %dma_start3A_122 = arith.constant 0 : i32
        %dma_start3A_123 = tpu.memref_slice %arg4[%dma_start3A_121, %dma_start3A_122] : memref<10000x128xf32, #tpu.memory_space<hbm>> -> memref<10000x128xf32, #tpu.memory_space<hbm>>
        tpu.enqueue_indirect_dma source(%dma_start3A_123 : memref<10000x128xf32, #tpu.memory_space<hbm>>) target(%arg15 : memref<80x128xf32, #tpu.memory_space<vmem>>) offsets(%dma_start3A_120 : memref<80xi32, #tpu.memory_space<vmem>>) semaphore(%arg22 : memref<!tpu.dma_semaphore, #tpu.memory_space<semaphore_mem>>)
        %mul3A_124 = arith.constant 10000 : i32
        %mul3A_125 = arith.muli %arg1, %mul3A_124 : i32
        %mul3A_126 = arith.constant 80 : i32
        %mul3A_127 = arith.muli %scan3A_82, %mul3A_126 : i32
        %add3A_128 = arith.addi %mul3A_125, %mul3A_127 : i32
        "tpu.region"() ({
          %run_scoped3A_157 = tpu.sem_alloc : memref<!tpu.dma_semaphore, #tpu.memory_space<semaphore_mem>>
          %dma_start3A_158 = arith.constant 0 : i32
          %dma_start3A_159 = tpu.memref_slice %arg6[%add3A_128, %dma_start3A_158] : memref<160000x128xf32, #tpu.memory_space<hbm>> -> memref<80x128xf32, #tpu.memory_space<hbm>>
          %dma_start3A_160 = arith.constant 0 : i32
          %dma_start3A_161 = tpu.memref_slice %arg6[%add3A_128, %dma_start3A_160] : memref<160000x128xf32, #tpu.memory_space<hbm>> -> memref<80x128xf32, #tpu.memory_space<hbm>>
          tpu.enqueue_dma source(%dma_start3A_161 : memref<80x128xf32, #tpu.memory_space<hbm>>) target(%arg16 : memref<80x128xf32, #tpu.memory_space<vmem>>) target_semaphore(%run_scoped3A_157 : memref<!tpu.dma_semaphore, #tpu.memory_space<semaphore_mem>>)
          %dma_wait3A_162 = arith.constant 0 : i32
          %dma_wait3A_163 = tpu.memref_slice %arg6[%add3A_128, %dma_wait3A_162] : memref<160000x128xf32, #tpu.memory_space<hbm>> -> memref<80x128xf32, #tpu.memory_space<hbm>>
          %dma_wait3A_164 = arith.constant 0 : i32
          %dma_wait3A_165 = tpu.memref_slice %arg6[%add3A_128, %dma_wait3A_164] : memref<160000x128xf32, #tpu.memory_space<hbm>> -> memref<80x128xf32, #tpu.memory_space<hbm>>
          tpu.wait_dma2 semaphore(%run_scoped3A_157 : memref<!tpu.dma_semaphore, #tpu.memory_space<semaphore_mem>>) src(%dma_wait3A_165 : memref<80x128xf32, #tpu.memory_space<hbm>>) dst(%arg16 : memref<80x128xf32, #tpu.memory_space<vmem>>)
          tpu.yield
        }) : () -> ()
        %dma_wait3A = arith.constant 0 : i32
        %dma_wait3A_129 = tpu.memref_slice %arg13[%mul3A_109, %dma_wait3A] : memref<50x80xi32, #tpu.memory_space<vmem>> -> memref<1x80xi32, #tpu.memory_space<vmem>>
        %dma_wait3A_130 = tpu.memref_squeeze %dma_wait3A_129 : memref<1x80xi32, #tpu.memory_space<vmem>> -> memref<80xi32, #tpu.memory_space<vmem>>
        %dma_wait3A_131 = arith.constant 0 : i32
        %dma_wait3A_132 = arith.constant 0 : i32
        %dma_wait3A_133 = tpu.memref_slice %arg2[%dma_wait3A_131, %dma_wait3A_132] : memref<10000x128xf32, #tpu.memory_space<hbm>> -> memref<10000x128xf32, #tpu.memory_space<hbm>>
        tpu.wait_indirect_dma semaphore(%arg21 : memref<!tpu.dma_semaphore, #tpu.memory_space<semaphore_mem>>) src(%dma_wait3A_133 : memref<10000x128xf32, #tpu.memory_space<hbm>>) dst(%arg14 : memref<80x128xf32, #tpu.memory_space<vmem>>)
        %dma_wait3A_134 = arith.constant 0 : i32
        %dma_wait3A_135 = tpu.memref_slice %arg13[%add3A_117, %dma_wait3A_134] : memref<50x80xi32, #tpu.memory_space<vmem>> -> memref<1x80xi32, #tpu.memory_space<vmem>>
        %dma_wait3A_136 = tpu.memref_squeeze %dma_wait3A_135 : memref<1x80xi32, #tpu.memory_space<vmem>> -> memref<80xi32, #tpu.memory_space<vmem>>
        %dma_wait3A_137 = arith.constant 0 : i32
        %dma_wait3A_138 = arith.constant 0 : i32
        %dma_wait3A_139 = tpu.memref_slice %arg4[%dma_wait3A_137, %dma_wait3A_138] : memref<10000x128xf32, #tpu.memory_space<hbm>> -> memref<10000x128xf32, #tpu.memory_space<hbm>>
        tpu.wait_indirect_dma semaphore(%arg22 : memref<!tpu.dma_semaphore, #tpu.memory_space<semaphore_mem>>) src(%dma_wait3A_139 : memref<10000x128xf32, #tpu.memory_space<hbm>>) dst(%arg15 : memref<80x128xf32, #tpu.memory_space<vmem>>)
        %scan3A_140 = arith.constant 0 : i32
        %scan3A_141 = arith.constant 0 : i32
        %scan3A_142 = arith.constant 5 : i32
        %scan3A_143 = arith.addi %scan3A_141, %scan3A_142 : i32
        %scan3A_144 = arith.constant 1 : i32
        %scan3A_145 = scf.for %scan3A_157 = %scan3A_141 to %scan3A_143 step %scan3A_144 iter_args(%scan3A_158 = %scan3A_140) -> (i32)  : i32 {
          %scan3A_159 = arith.constant 0 : i32
          %scan3A_160 = arith.constant 16 : i32
          %scan3A_161 = arith.addi %scan3A_159, %scan3A_160 : i32
          %scan3A_162 = arith.constant 1 : i32
          %scan3A_163:2 = scf.for %scan3A_185 = %scan3A_159 to %scan3A_161 step %scan3A_162 iter_args(%scan3A_186 = %broadcast_in_dim3A_75, %scan3A_187 = %broadcast_in_dim3A_75) -> (vector<16xf32>, vector<16xf32>)  : i32 {
            %mul3A_188 = arith.constant 16 : i32
            %mul3A_189 = arith.muli %scan3A_157, %mul3A_188 : i32
            %add3A_190 = arith.addi %mul3A_189, %scan3A_185 : i32
            %get3A_191 = arith.index_cast %add3A_190 : i32 to index
            %get3A_192 = arith.constant 0 : index
            %get3A_193 = tpu.vector_load %arg14[%get3A_191, %get3A_192] {strides = array<i32>} : memref<80x128xf32, #tpu.memory_space<vmem>>, vector<1x16xf32>,
            %get3A_194 = vector.shape_cast %get3A_193 : vector<1x16xf32> to vector<16xf32>
            %get3A_195 = arith.index_cast %add3A_190 : i32 to index
            %get3A_196 = arith.constant 0 : index
            %get3A_197 = tpu.vector_load %arg15[%get3A_195, %get3A_196] {strides = array<i32>} : memref<80x128xf32, #tpu.memory_space<vmem>>, vector<1x16xf32>,
            %get3A_198 = vector.shape_cast %get3A_197 : vector<1x16xf32> to vector<16xf32>
            %add3A_199 = arith.addf %get3A_194, %get3A_198 : vector<16xf32>
            %get3A_200 = arith.index_cast %add3A_190 : i32 to index
            %get3A_201 = arith.constant 0 : index
            %get3A_202 = tpu.vector_load %arg16[%get3A_200, %get3A_201] {strides = array<i32>} : memref<80x128xf32, #tpu.memory_space<vmem>>, vector<1x16xf32>,
            %get3A_203 = vector.shape_cast %get3A_202 : vector<1x16xf32> to vector<16xf32>
            %add3A_204 = arith.addf %add3A_199, %get3A_203 : vector<16xf32>
            %max3A = arith.constant 0.000000e+00 : f32
            %max3A_205 = vector.broadcast %max3A : f32 to vector<16xf32>
            %max3A_206 = arith.maximumf %add3A_204, %max3A_205 : vector<16xf32>
            %swap3A_207 = arith.index_cast %add3A_190 : i32 to index
            %swap3A_208 = arith.constant 0 : index
            %swap3A_209 = tpu.vector_load %arg16[%swap3A_207, %swap3A_208] {strides = array<i32>} : memref<80x128xf32, #tpu.memory_space<vmem>>, vector<1x16xf32>,
            %swap3A_210 = vector.shape_cast %swap3A_209 : vector<1x16xf32> to vector<16xf32>
            %swap3A_211 = vector.shape_cast %max3A_206 : vector<16xf32> to vector<1x16xf32>
            tpu.vector_store %arg16[%swap3A_207, %swap3A_208], %swap3A_211 {strides = array<i32>} : memref<80x128xf32, #tpu.memory_space<vmem>>, vector<1x16xf32>,
            %mul3A_212 = arith.mulf %max3A_206, %get3A_29 : vector<16xf32>
            %add3A_213 = arith.addf %broadcast_in_dim3A_75, %mul3A_212 : vector<16xf32>
            %mul3A_214 = arith.mulf %max3A_206, %get3A_53 : vector<16xf32>
            %add3A_215 = arith.addf %broadcast_in_dim3A_75, %mul3A_214 : vector<16xf32>
            %get3A_216 = arith.index_cast %add3A_190 : i32 to index
            %get3A_217 = arith.constant 16 : index
            %get3A_218 = tpu.vector_load %arg14[%get3A_216, %get3A_217] {strides = array<i32>} : memref<80x128xf32, #tpu.memory_space<vmem>>, vector<1x16xf32>,
            %get3A_219 = vector.shape_cast %get3A_218 : vector<1x16xf32> to vector<16xf32>
            %get3A_220 = arith.index_cast %add3A_190 : i32 to index
            %get3A_221 = arith.constant 16 : index
            %get3A_222 = tpu.vector_load %arg15[%get3A_220, %get3A_221] {strides = array<i32>} : memref<80x128xf32, #tpu.memory_space<vmem>>, vector<1x16xf32>,
            %get3A_223 = vector.shape_cast %get3A_222 : vector<1x16xf32> to vector<16xf32>
            %add3A_224 = arith.addf %get3A_219, %get3A_223 : vector<16xf32>
            %get3A_225 = arith.index_cast %add3A_190 : i32 to index
            %get3A_226 = arith.constant 16 : index
            %get3A_227 = tpu.vector_load %arg16[%get3A_225, %get3A_226] {strides = array<i32>} : memref<80x128xf32, #tpu.memory_space<vmem>>, vector<1x16xf32>,
            %get3A_228 = vector.shape_cast %get3A_227 : vector<1x16xf32> to vector<16xf32>
            %add3A_229 = arith.addf %add3A_224, %get3A_228 : vector<16xf32>
            %max3A_230 = arith.constant 0.000000e+00 : f32
            %max3A_231 = vector.broadcast %max3A_230 : f32 to vector<16xf32>
            %max3A_232 = arith.maximumf %add3A_229, %max3A_231 : vector<16xf32>
            %swap3A_233 = arith.index_cast %add3A_190 : i32 to index
            %swap3A_234 = arith.constant 16 : index
            %swap3A_235 = tpu.vector_load %arg16[%swap3A_233, %swap3A_234] {strides = array<i32>} : memref<80x128xf32, #tpu.memory_space<vmem>>, vector<1x16xf32>,
            %swap3A_236 = vector.shape_cast %swap3A_235 : vector<1x16xf32> to vector<16xf32>
            %swap3A_237 = vector.shape_cast %max3A_232 : vector<16xf32> to vector<1x16xf32>
            tpu.vector_store %arg16[%swap3A_233, %swap3A_234], %swap3A_237 {strides = array<i32>} : memref<80x128xf32, #tpu.memory_space<vmem>>, vector<1x16xf32>,
            %mul3A_238 = arith.mulf %max3A_232, %get3A_32 : vector<16xf32>
            %add3A_239 = arith.addf %add3A_213, %mul3A_238 : vector<16xf32>
            %mul3A_240 = arith.mulf %max3A_232, %get3A_56 : vector<16xf32>
            %add3A_241 = arith.addf %add3A_215, %mul3A_240 : vector<16xf32>
            %get3A_242 = arith.index_cast %add3A_190 : i32 to index
            %get3A_243 = arith.constant 32 : index
            %get3A_244 = tpu.vector_load %arg14[%get3A_242, %get3A_243] {strides = array<i32>} : memref<80x128xf32, #tpu.memory_space<vmem>>, vector<1x16xf32>,
            %get3A_245 = vector.shape_cast %get3A_244 : vector<1x16xf32> to vector<16xf32>
            %get3A_246 = arith.index_cast %add3A_190 : i32 to index
            %get3A_247 = arith.constant 32 : index
            %get3A_248 = tpu.vector_load %arg15[%get3A_246, %get3A_247] {strides = array<i32>} : memref<80x128xf32, #tpu.memory_space<vmem>>, vector<1x16xf32>,
            %get3A_249 = vector.shape_cast %get3A_248 : vector<1x16xf32> to vector<16xf32>
            %add3A_250 = arith.addf %get3A_245, %get3A_249 : vector<16xf32>
            %get3A_251 = arith.index_cast %add3A_190 : i32 to index
            %get3A_252 = arith.constant 32 : index
            %get3A_253 = tpu.vector_load %arg16[%get3A_251, %get3A_252] {strides = array<i32>} : memref<80x128xf32, #tpu.memory_space<vmem>>, vector<1x16xf32>,
            %get3A_254 = vector.shape_cast %get3A_253 : vector<1x16xf32> to vector<16xf32>
            %add3A_255 = arith.addf %add3A_250, %get3A_254 : vector<16xf32>
            %max3A_256 = arith.constant 0.000000e+00 : f32
            %max3A_257 = vector.broadcast %max3A_256 : f32 to vector<16xf32>
            %max3A_258 = arith.maximumf %add3A_255, %max3A_257 : vector<16xf32>
            %swap3A_259 = arith.index_cast %add3A_190 : i32 to index
            %swap3A_260 = arith.constant 32 : index
            %swap3A_261 = tpu.vector_load %arg16[%swap3A_259, %swap3A_260] {strides = array<i32>} : memref<80x128xf32, #tpu.memory_space<vmem>>, vector<1x16xf32>,
            %swap3A_262 = vector.shape_cast %swap3A_261 : vector<1x16xf32> to vector<16xf32>
            %swap3A_263 = vector.shape_cast %max3A_258 : vector<16xf32> to vector<1x16xf32>
            tpu.vector_store %arg16[%swap3A_259, %swap3A_260], %swap3A_263 {strides = array<i32>} : memref<80x128xf32, #tpu.memory_space<vmem>>, vector<1x16xf32>,
            %mul3A_264 = arith.mulf %max3A_258, %get3A_35 : vector<16xf32>
            %add3A_265 = arith.addf %add3A_239, %mul3A_264 : vector<16xf32>
            %mul3A_266 = arith.mulf %max3A_258, %get3A_59 : vector<16xf32>
            %add3A_267 = arith.addf %add3A_241, %mul3A_266 : vector<16xf32>
            %get3A_268 = arith.index_cast %add3A_190 : i32 to index
            %get3A_269 = arith.constant 48 : index
            %get3A_270 = tpu.vector_load %arg14[%get3A_268, %get3A_269] {strides = array<i32>} : memref<80x128xf32, #tpu.memory_space<vmem>>, vector<1x16xf32>,
            %get3A_271 = vector.shape_cast %get3A_270 : vector<1x16xf32> to vector<16xf32>
            %get3A_272 = arith.index_cast %add3A_190 : i32 to index
            %get3A_273 = arith.constant 48 : index
            %get3A_274 = tpu.vector_load %arg15[%get3A_272, %get3A_273] {strides = array<i32>} : memref<80x128xf32, #tpu.memory_space<vmem>>, vector<1x16xf32>,
            %get3A_275 = vector.shape_cast %get3A_274 : vector<1x16xf32> to vector<16xf32>
            %add3A_276 = arith.addf %get3A_271, %get3A_275 : vector<16xf32>
            %get3A_277 = arith.index_cast %add3A_190 : i32 to index
            %get3A_278 = arith.constant 48 : index
            %get3A_279 = tpu.vector_load %arg16[%get3A_277, %get3A_278] {strides = array<i32>} : memref<80x128xf32, #tpu.memory_space<vmem>>, vector<1x16xf32>,
            %get3A_280 = vector.shape_cast %get3A_279 : vector<1x16xf32> to vector<16xf32>
            %add3A_281 = arith.addf %add3A_276, %get3A_280 : vector<16xf32>
            %max3A_282 = arith.constant 0.000000e+00 : f32
            %max3A_283 = vector.broadcast %max3A_282 : f32 to vector<16xf32>
            %max3A_284 = arith.maximumf %add3A_281, %max3A_283 : vector<16xf32>
            %swap3A_285 = arith.index_cast %add3A_190 : i32 to index
            %swap3A_286 = arith.constant 48 : index
            %swap3A_287 = tpu.vector_load %arg16[%swap3A_285, %swap3A_286] {strides = array<i32>} : memref<80x128xf32, #tpu.memory_space<vmem>>, vector<1x16xf32>,
            %swap3A_288 = vector.shape_cast %swap3A_287 : vector<1x16xf32> to vector<16xf32>
            %swap3A_289 = vector.shape_cast %max3A_284 : vector<16xf32> to vector<1x16xf32>
            tpu.vector_store %arg16[%swap3A_285, %swap3A_286], %swap3A_289 {strides = array<i32>} : memref<80x128xf32, #tpu.memory_space<vmem>>, vector<1x16xf32>,
            %mul3A_290 = arith.mulf %max3A_284, %get3A_38 : vector<16xf32>
            %add3A_291 = arith.addf %add3A_265, %mul3A_290 : vector<16xf32>
            %mul3A_292 = arith.mulf %max3A_284, %get3A_62 : vector<16xf32>
            %add3A_293 = arith.addf %add3A_267, %mul3A_292 : vector<16xf32>
            %get3A_294 = arith.index_cast %add3A_190 : i32 to index
            %get3A_295 = arith.constant 64 : index
            %get3A_296 = tpu.vector_load %arg14[%get3A_294, %get3A_295] {strides = array<i32>} : memref<80x128xf32, #tpu.memory_space<vmem>>, vector<1x16xf32>,
            %get3A_297 = vector.shape_cast %get3A_296 : vector<1x16xf32> to vector<16xf32>
            %get3A_298 = arith.index_cast %add3A_190 : i32 to index
            %get3A_299 = arith.constant 64 : index
            %get3A_300 = tpu.vector_load %arg15[%get3A_298, %get3A_299] {strides = array<i32>} : memref<80x128xf32, #tpu.memory_space<vmem>>, vector<1x16xf32>,
            %get3A_301 = vector.shape_cast %get3A_300 : vector<1x16xf32> to vector<16xf32>
            %add3A_302 = arith.addf %get3A_297, %get3A_301 : vector<16xf32>
            %get3A_303 = arith.index_cast %add3A_190 : i32 to index
            %get3A_304 = arith.constant 64 : index
            %get3A_305 = tpu.vector_load %arg16[%get3A_303, %get3A_304] {strides = array<i32>} : memref<80x128xf32, #tpu.memory_space<vmem>>, vector<1x16xf32>,
            %get3A_306 = vector.shape_cast %get3A_305 : vector<1x16xf32> to vector<16xf32>
            %add3A_307 = arith.addf %add3A_302, %get3A_306 : vector<16xf32>
            %max3A_308 = arith.constant 0.000000e+00 : f32
            %max3A_309 = vector.broadcast %max3A_308 : f32 to vector<16xf32>
            %max3A_310 = arith.maximumf %add3A_307, %max3A_309 : vector<16xf32>
            %swap3A_311 = arith.index_cast %add3A_190 : i32 to index
            %swap3A_312 = arith.constant 64 : index
            %swap3A_313 = tpu.vector_load %arg16[%swap3A_311, %swap3A_312] {strides = array<i32>} : memref<80x128xf32, #tpu.memory_space<vmem>>, vector<1x16xf32>,
            %swap3A_314 = vector.shape_cast %swap3A_313 : vector<1x16xf32> to vector<16xf32>
            %swap3A_315 = vector.shape_cast %max3A_310 : vector<16xf32> to vector<1x16xf32>
            tpu.vector_store %arg16[%swap3A_311, %swap3A_312], %swap3A_315 {strides = array<i32>} : memref<80x128xf32, #tpu.memory_space<vmem>>, vector<1x16xf32>,
            %mul3A_316 = arith.mulf %max3A_310, %get3A_41 : vector<16xf32>
            %add3A_317 = arith.addf %add3A_291, %mul3A_316 : vector<16xf32>
            %mul3A_318 = arith.mulf %max3A_310, %get3A_65 : vector<16xf32>
            %add3A_319 = arith.addf %add3A_293, %mul3A_318 : vector<16xf32>
            %get3A_320 = arith.index_cast %add3A_190 : i32 to index
            %get3A_321 = arith.constant 80 : index
            %get3A_322 = tpu.vector_load %arg14[%get3A_320, %get3A_321] {strides = array<i32>} : memref<80x128xf32, #tpu.memory_space<vmem>>, vector<1x16xf32>,
            %get3A_323 = vector.shape_cast %get3A_322 : vector<1x16xf32> to vector<16xf32>
            %get3A_324 = arith.index_cast %add3A_190 : i32 to index
            %get3A_325 = arith.constant 80 : index
            %get3A_326 = tpu.vector_load %arg15[%get3A_324, %get3A_325] {strides = array<i32>} : memref<80x128xf32, #tpu.memory_space<vmem>>, vector<1x16xf32>,
            %get3A_327 = vector.shape_cast %get3A_326 : vector<1x16xf32> to vector<16xf32>
            %add3A_328 = arith.addf %get3A_323, %get3A_327 : vector<16xf32>
            %get3A_329 = arith.index_cast %add3A_190 : i32 to index
            %get3A_330 = arith.constant 80 : index
            %get3A_331 = tpu.vector_load %arg16[%get3A_329, %get3A_330] {strides = array<i32>} : memref<80x128xf32, #tpu.memory_space<vmem>>, vector<1x16xf32>,
            %get3A_332 = vector.shape_cast %get3A_331 : vector<1x16xf32> to vector<16xf32>
            %add3A_333 = arith.addf %add3A_328, %get3A_332 : vector<16xf32>
            %max3A_334 = arith.constant 0.000000e+00 : f32
            %max3A_335 = vector.broadcast %max3A_334 : f32 to vector<16xf32>
            %max3A_336 = arith.maximumf %add3A_333, %max3A_335 : vector<16xf32>
            %swap3A_337 = arith.index_cast %add3A_190 : i32 to index
            %swap3A_338 = arith.constant 80 : index
            %swap3A_339 = tpu.vector_load %arg16[%swap3A_337, %swap3A_338] {strides = array<i32>} : memref<80x128xf32, #tpu.memory_space<vmem>>, vector<1x16xf32>,
            %swap3A_340 = vector.shape_cast %swap3A_339 : vector<1x16xf32> to vector<16xf32>
            %swap3A_341 = vector.shape_cast %max3A_336 : vector<16xf32> to vector<1x16xf32>
            tpu.vector_store %arg16[%swap3A_337, %swap3A_338], %swap3A_341 {strides = array<i32>} : memref<80x128xf32, #tpu.memory_space<vmem>>, vector<1x16xf32>,
            %mul3A_342 = arith.mulf %max3A_336, %get3A_44 : vector<16xf32>
            %add3A_343 = arith.addf %add3A_317, %mul3A_342 : vector<16xf32>
            %mul3A_344 = arith.mulf %max3A_336, %get3A_68 : vector<16xf32>
            %add3A_345 = arith.addf %add3A_319, %mul3A_344 : vector<16xf32>
            %get3A_346 = arith.index_cast %add3A_190 : i32 to index
            %get3A_347 = arith.constant 96 : index
            %get3A_348 = tpu.vector_load %arg14[%get3A_346, %get3A_347] {strides = array<i32>} : memref<80x128xf32, #tpu.memory_space<vmem>>, vector<1x16xf32>,
            %get3A_349 = vector.shape_cast %get3A_348 : vector<1x16xf32> to vector<16xf32>
            %get3A_350 = arith.index_cast %add3A_190 : i32 to index
            %get3A_351 = arith.constant 96 : index
            %get3A_352 = tpu.vector_load %arg15[%get3A_350, %get3A_351] {strides = array<i32>} : memref<80x128xf32, #tpu.memory_space<vmem>>, vector<1x16xf32>,
            %get3A_353 = vector.shape_cast %get3A_352 : vector<1x16xf32> to vector<16xf32>
            %add3A_354 = arith.addf %get3A_349, %get3A_353 : vector<16xf32>
            %get3A_355 = arith.index_cast %add3A_190 : i32 to index
            %get3A_356 = arith.constant 96 : index
            %get3A_357 = tpu.vector_load %arg16[%get3A_355, %get3A_356] {strides = array<i32>} : memref<80x128xf32, #tpu.memory_space<vmem>>, vector<1x16xf32>,
            %get3A_358 = vector.shape_cast %get3A_357 : vector<1x16xf32> to vector<16xf32>
            %add3A_359 = arith.addf %add3A_354, %get3A_358 : vector<16xf32>
            %max3A_360 = arith.constant 0.000000e+00 : f32
            %max3A_361 = vector.broadcast %max3A_360 : f32 to vector<16xf32>
            %max3A_362 = arith.maximumf %add3A_359, %max3A_361 : vector<16xf32>
            %swap3A_363 = arith.index_cast %add3A_190 : i32 to index
            %swap3A_364 = arith.constant 96 : index
            %swap3A_365 = tpu.vector_load %arg16[%swap3A_363, %swap3A_364] {strides = array<i32>} : memref<80x128xf32, #tpu.memory_space<vmem>>, vector<1x16xf32>,
            %swap3A_366 = vector.shape_cast %swap3A_365 : vector<1x16xf32> to vector<16xf32>
            %swap3A_367 = vector.shape_cast %max3A_362 : vector<16xf32> to vector<1x16xf32>
            tpu.vector_store %arg16[%swap3A_363, %swap3A_364], %swap3A_367 {strides = array<i32>} : memref<80x128xf32, #tpu.memory_space<vmem>>, vector<1x16xf32>,
            %mul3A_368 = arith.mulf %max3A_362, %get3A_47 : vector<16xf32>
            %add3A_369 = arith.addf %add3A_343, %mul3A_368 : vector<16xf32>
            %mul3A_370 = arith.mulf %max3A_362, %get3A_71 : vector<16xf32>
            %add3A_371 = arith.addf %add3A_345, %mul3A_370 : vector<16xf32>
            %get3A_372 = arith.index_cast %add3A_190 : i32 to index
            %get3A_373 = arith.constant 112 : index
            %get3A_374 = tpu.vector_load %arg14[%get3A_372, %get3A_373] {strides = array<i32>} : memref<80x128xf32, #tpu.memory_space<vmem>>, vector<1x16xf32>,
            %get3A_375 = vector.shape_cast %get3A_374 : vector<1x16xf32> to vector<16xf32>
            %get3A_376 = arith.index_cast %add3A_190 : i32 to index
            %get3A_377 = arith.constant 112 : index
            %get3A_378 = tpu.vector_load %arg15[%get3A_376, %get3A_377] {strides = array<i32>} : memref<80x128xf32, #tpu.memory_space<vmem>>, vector<1x16xf32>,
            %get3A_379 = vector.shape_cast %get3A_378 : vector<1x16xf32> to vector<16xf32>
            %add3A_380 = arith.addf %get3A_375, %get3A_379 : vector<16xf32>
            %get3A_381 = arith.index_cast %add3A_190 : i32 to index
            %get3A_382 = arith.constant 112 : index
            %get3A_383 = tpu.vector_load %arg16[%get3A_381, %get3A_382] {strides = array<i32>} : memref<80x128xf32, #tpu.memory_space<vmem>>, vector<1x16xf32>,
            %get3A_384 = vector.shape_cast %get3A_383 : vector<1x16xf32> to vector<16xf32>
            %add3A_385 = arith.addf %add3A_380, %get3A_384 : vector<16xf32>
            %max3A_386 = arith.constant 0.000000e+00 : f32
            %max3A_387 = vector.broadcast %max3A_386 : f32 to vector<16xf32>
            %max3A_388 = arith.maximumf %add3A_385, %max3A_387 : vector<16xf32>
            %swap3A_389 = arith.index_cast %add3A_190 : i32 to index
            %swap3A_390 = arith.constant 112 : index
            %swap3A_391 = tpu.vector_load %arg16[%swap3A_389, %swap3A_390] {strides = array<i32>} : memref<80x128xf32, #tpu.memory_space<vmem>>, vector<1x16xf32>,
            %swap3A_392 = vector.shape_cast %swap3A_391 : vector<1x16xf32> to vector<16xf32>
            %swap3A_393 = vector.shape_cast %max3A_388 : vector<16xf32> to vector<1x16xf32>
            tpu.vector_store %arg16[%swap3A_389, %swap3A_390], %swap3A_393 {strides = array<i32>} : memref<80x128xf32, #tpu.memory_space<vmem>>, vector<1x16xf32>,
            %mul3A_394 = arith.mulf %max3A_388, %get3A_50 : vector<16xf32>
            %add3A_395 = arith.addf %add3A_369, %mul3A_394 : vector<16xf32>
            %mul3A_396 = arith.mulf %max3A_388, %get3A_74 : vector<16xf32>
            %add3A_397 = arith.addf %add3A_371, %mul3A_396 : vector<16xf32>
            %eq3A_398 = vector.broadcast %scan3A_185 : i32 to vector<16xi32>
            %eq3A_399 = arith.cmpi eq, %iota3A, %eq3A_398 : vector<16xi32>
            %iota3A_400 = tpu.iota {dimensions = array<i32: 0>} : vector<16xi32>
            %xor3A = arith.constant 8 : i32
            %xor3A_401 = vector.broadcast %xor3A : i32 to vector<16xi32>
            %xor3A_402 = arith.xori %iota3A_400, %xor3A_401 : vector<16xi32>
            %lt3A_403 = arith.constant 0 : i32
            %lt3A_404 = vector.broadcast %lt3A_403 : i32 to vector<16xi32>
            %lt3A_405 = arith.cmpi slt, %xor3A_402, %lt3A_404 : vector<16xi32>
            %add3A_406 = arith.constant 16 : i32
            %add3A_407 = vector.broadcast %add3A_406 : i32 to vector<16xi32>
            %add3A_408 = arith.addi %xor3A_402, %add3A_407 : vector<16xi32>
            %select_n3A_409 = arith.select %lt3A_405, %add3A_408, %xor3A_402 : vector<16xi1>, vector<16xi32>
            %broadcast_in_dim3A_410 = vector.shape_cast %select_n3A_409 : vector<16xi32> to vector<16x1xi32>
            %gather3A = vector.shape_cast %broadcast_in_dim3A_410 : vector<16x1xi32> to vector<16xi32>
            %gather3A_411 = tpu.dynamic_gather %add3A_395[%gather3A] in [0] : vector<16xf32>, vector<16xi32> -> vector<16xf32>
            %add3A_412 = arith.addf %add3A_395, %gather3A_411 : vector<16xf32>
            %xor3A_413 = arith.constant 4 : i32
            %xor3A_414 = vector.broadcast %xor3A_413 : i32 to vector<16xi32>
            %xor3A_415 = arith.xori %iota3A_400, %xor3A_414 : vector<16xi32>
            %lt3A_416 = arith.constant 0 : i32
            %lt3A_417 = vector.broadcast %lt3A_416 : i32 to vector<16xi32>
            %lt3A_418 = arith.cmpi slt, %xor3A_415, %lt3A_417 : vector<16xi32>
            %add3A_419 = arith.constant 16 : i32
            %add3A_420 = vector.broadcast %add3A_419 : i32 to vector<16xi32>
            %add3A_421 = arith.addi %xor3A_415, %add3A_420 : vector<16xi32>
            %select_n3A_422 = arith.select %lt3A_418, %add3A_421, %xor3A_415 : vector<16xi1>, vector<16xi32>
            %broadcast_in_dim3A_423 = vector.shape_cast %select_n3A_422 : vector<16xi32> to vector<16x1xi32>
            %gather3A_424 = vector.shape_cast %broadcast_in_dim3A_423 : vector<16x1xi32> to vector<16xi32>
            %gather3A_425 = tpu.dynamic_gather %add3A_412[%gather3A_424] in [0] : vector<16xf32>, vector<16xi32> -> vector<16xf32>
            %add3A_426 = arith.addf %add3A_412, %gather3A_425 : vector<16xf32>
            %xor3A_427 = arith.constant 2 : i32
            %xor3A_428 = vector.broadcast %xor3A_427 : i32 to vector<16xi32>
            %xor3A_429 = arith.xori %iota3A_400, %xor3A_428 : vector<16xi32>
            %lt3A_430 = arith.constant 0 : i32
            %lt3A_431 = vector.broadcast %lt3A_430 : i32 to vector<16xi32>
            %lt3A_432 = arith.cmpi slt, %xor3A_429, %lt3A_431 : vector<16xi32>
            %add3A_433 = arith.constant 16 : i32
            %add3A_434 = vector.broadcast %add3A_433 : i32 to vector<16xi32>
            %add3A_435 = arith.addi %xor3A_429, %add3A_434 : vector<16xi32>
            %select_n3A_436 = arith.select %lt3A_432, %add3A_435, %xor3A_429 : vector<16xi1>, vector<16xi32>
            %broadcast_in_dim3A_437 = vector.shape_cast %select_n3A_436 : vector<16xi32> to vector<16x1xi32>
            %gather3A_438 = vector.shape_cast %broadcast_in_dim3A_437 : vector<16x1xi32> to vector<16xi32>
            %gather3A_439 = tpu.dynamic_gather %add3A_426[%gather3A_438] in [0] : vector<16xf32>, vector<16xi32> -> vector<16xf32>
            %add3A_440 = arith.addf %add3A_426, %gather3A_439 : vector<16xf32>
            %xor3A_441 = arith.constant 1 : i32
            %xor3A_442 = vector.broadcast %xor3A_441 : i32 to vector<16xi32>
            %xor3A_443 = arith.xori %iota3A_400, %xor3A_442 : vector<16xi32>
            %lt3A_444 = arith.constant 0 : i32
            %lt3A_445 = vector.broadcast %lt3A_444 : i32 to vector<16xi32>
            %lt3A_446 = arith.cmpi slt, %xor3A_443, %lt3A_445 : vector<16xi32>
            %add3A_447 = arith.constant 16 : i32
            %add3A_448 = vector.broadcast %add3A_447 : i32 to vector<16xi32>
            %add3A_449 = arith.addi %xor3A_443, %add3A_448 : vector<16xi32>
            %select_n3A_450 = arith.select %lt3A_446, %add3A_449, %xor3A_443 : vector<16xi1>, vector<16xi32>
            %broadcast_in_dim3A_451 = vector.shape_cast %select_n3A_450 : vector<16xi32> to vector<16x1xi32>
            %gather3A_452 = vector.shape_cast %broadcast_in_dim3A_451 : vector<16x1xi32> to vector<16xi32>
            %gather3A_453 = tpu.dynamic_gather %add3A_440[%gather3A_452] in [0] : vector<16xf32>, vector<16xi32> -> vector<16xf32>
            %add3A_454 = arith.addf %add3A_440, %gather3A_453 : vector<16xf32>
            %select_n3A_455 = arith.select %eq3A_399, %add3A_454, %scan3A_186 : vector<16xi1>, vector<16xf32>
            %iota3A_456 = tpu.iota {dimensions = array<i32: 0>} : vector<16xi32>
            %xor3A_457 = arith.constant 8 : i32
            %xor3A_458 = vector.broadcast %xor3A_457 : i32 to vector<16xi32>
            %xor3A_459 = arith.xori %iota3A_456, %xor3A_458 : vector<16xi32>
            %lt3A_460 = arith.constant 0 : i32
            %lt3A_461 = vector.broadcast %lt3A_460 : i32 to vector<16xi32>
            %lt3A_462 = arith.cmpi slt, %xor3A_459, %lt3A_461 : vector<16xi32>
            %add3A_463 = arith.constant 16 : i32
            %add3A_464 = vector.broadcast %add3A_463 : i32 to vector<16xi32>
            %add3A_465 = arith.addi %xor3A_459, %add3A_464 : vector<16xi32>
            %select_n3A_466 = arith.select %lt3A_462, %add3A_465, %xor3A_459 : vector<16xi1>, vector<16xi32>
            %broadcast_in_dim3A_467 = vector.shape_cast %select_n3A_466 : vector<16xi32> to vector<16x1xi32>
            %gather3A_468 = vector.shape_cast %broadcast_in_dim3A_467 : vector<16x1xi32> to vector<16xi32>
            %gather3A_469 = tpu.dynamic_gather %add3A_397[%gather3A_468] in [0] : vector<16xf32>, vector<16xi32> -> vector<16xf32>
            %add3A_470 = arith.addf %add3A_397, %gather3A_469 : vector<16xf32>
            %xor3A_471 = arith.constant 4 : i32
            %xor3A_472 = vector.broadcast %xor3A_471 : i32 to vector<16xi32>
            %xor3A_473 = arith.xori %iota3A_456, %xor3A_472 : vector<16xi32>
            %lt3A_474 = arith.constant 0 : i32
            %lt3A_475 = vector.broadcast %lt3A_474 : i32 to vector<16xi32>
            %lt3A_476 = arith.cmpi slt, %xor3A_473, %lt3A_475 : vector<16xi32>
            %add3A_477 = arith.constant 16 : i32
            %add3A_478 = vector.broadcast %add3A_477 : i32 to vector<16xi32>
            %add3A_479 = arith.addi %xor3A_473, %add3A_478 : vector<16xi32>
            %select_n3A_480 = arith.select %lt3A_476, %add3A_479, %xor3A_473 : vector<16xi1>, vector<16xi32>
            %broadcast_in_dim3A_481 = vector.shape_cast %select_n3A_480 : vector<16xi32> to vector<16x1xi32>
            %gather3A_482 = vector.shape_cast %broadcast_in_dim3A_481 : vector<16x1xi32> to vector<16xi32>
            %gather3A_483 = tpu.dynamic_gather %add3A_470[%gather3A_482] in [0] : vector<16xf32>, vector<16xi32> -> vector<16xf32>
            %add3A_484 = arith.addf %add3A_470, %gather3A_483 : vector<16xf32>
            %xor3A_485 = arith.constant 2 : i32
            %xor3A_486 = vector.broadcast %xor3A_485 : i32 to vector<16xi32>
            %xor3A_487 = arith.xori %iota3A_456, %xor3A_486 : vector<16xi32>
            %lt3A_488 = arith.constant 0 : i32
            %lt3A_489 = vector.broadcast %lt3A_488 : i32 to vector<16xi32>
            %lt3A_490 = arith.cmpi slt, %xor3A_487, %lt3A_489 : vector<16xi32>
            %add3A_491 = arith.constant 16 : i32
            %add3A_492 = vector.broadcast %add3A_491 : i32 to vector<16xi32>
            %add3A_493 = arith.addi %xor3A_487, %add3A_492 : vector<16xi32>
            %select_n3A_494 = arith.select %lt3A_490, %add3A_493, %xor3A_487 : vector<16xi1>, vector<16xi32>
            %broadcast_in_dim3A_495 = vector.shape_cast %select_n3A_494 : vector<16xi32> to vector<16x1xi32>
            %gather3A_496 = vector.shape_cast %broadcast_in_dim3A_495 : vector<16x1xi32> to vector<16xi32>
            %gather3A_497 = tpu.dynamic_gather %add3A_484[%gather3A_496] in [0] : vector<16xf32>, vector<16xi32> -> vector<16xf32>
            %add3A_498 = arith.addf %add3A_484, %gather3A_497 : vector<16xf32>
            %xor3A_499 = arith.constant 1 : i32
            %xor3A_500 = vector.broadcast %xor3A_499 : i32 to vector<16xi32>
            %xor3A_501 = arith.xori %iota3A_456, %xor3A_500 : vector<16xi32>
            %lt3A_502 = arith.constant 0 : i32
            %lt3A_503 = vector.broadcast %lt3A_502 : i32 to vector<16xi32>
            %lt3A_504 = arith.cmpi slt, %xor3A_501, %lt3A_503 : vector<16xi32>
            %add3A_505 = arith.constant 16 : i32
            %add3A_506 = vector.broadcast %add3A_505 : i32 to vector<16xi32>
            %add3A_507 = arith.addi %xor3A_501, %add3A_506 : vector<16xi32>
            %select_n3A_508 = arith.select %lt3A_504, %add3A_507, %xor3A_501 : vector<16xi1>, vector<16xi32>
            %broadcast_in_dim3A_509 = vector.shape_cast %select_n3A_508 : vector<16xi32> to vector<16x1xi32>
            %gather3A_510 = vector.shape_cast %broadcast_in_dim3A_509 : vector<16x1xi32> to vector<16xi32>
            %gather3A_511 = tpu.dynamic_gather %add3A_498[%gather3A_510] in [0] : vector<16xf32>, vector<16xi32> -> vector<16xf32>
            %add3A_512 = arith.addf %add3A_498, %gather3A_511 : vector<16xf32>
            %select_n3A_513 = arith.select %eq3A_399, %add3A_512, %scan3A_187 : vector<16xi1>, vector<16xf32>
            scf.yield %select_n3A_455, %select_n3A_513 : vector<16xf32>, vector<16xf32>
          }
          %scan3A_164 = arith.constant 16 : i32
          %mul3A_165 = arith.constant 2 : i32
          %mul3A_166 = arith.muli %mul3A_165, %sub3A_102 : i32
          %mul3A_167 = arith.constant 16 : i32
          %mul3A_168 = arith.muli %scan3A_157, %mul3A_167 : i32
          %swap3A = arith.index_cast %mul3A_166 : i32 to index
          %swap3A_169 = arith.index_cast %mul3A_168 : i32 to index
          %swap3A_170 = tpu.vector_load %arg17[%swap3A, %swap3A_169] {strides = array<i32>} : memref<50x80xf32, #tpu.memory_space<vmem>>, vector<1x16xf32>,
          %swap3A_171 = vector.shape_cast %swap3A_170 : vector<1x16xf32> to vector<16xf32>
          %swap3A_172 = vector.shape_cast %scan3A_163#0 : vector<16xf32> to vector<1x16xf32>
          tpu.vector_store %arg17[%swap3A, %swap3A_169], %swap3A_172 {strides = array<i32>} : memref<50x80xf32, #tpu.memory_space<vmem>>, vector<1x16xf32>,
          %mul3A_173 = arith.constant 2 : i32
          %mul3A_174 = arith.muli %mul3A_173, %sub3A_102 : i32
          %add3A_175 = arith.constant 1 : i32
          %add3A_176 = arith.addi %mul3A_174, %add3A_175 : i32
          %mul3A_177 = arith.constant 16 : i32
          %mul3A_178 = arith.muli %scan3A_157, %mul3A_177 : i32
          %swap3A_179 = arith.index_cast %add3A_176 : i32 to index
          %swap3A_180 = arith.index_cast %mul3A_178 : i32 to index
          %swap3A_181 = tpu.vector_load %arg17[%swap3A_179, %swap3A_180] {strides = array<i32>} : memref<50x80xf32, #tpu.memory_space<vmem>>, vector<1x16xf32>,
          %swap3A_182 = vector.shape_cast %swap3A_181 : vector<1x16xf32> to vector<16xf32>
          %swap3A_183 = vector.shape_cast %scan3A_163#1 : vector<16xf32> to vector<1x16xf32>
          tpu.vector_store %arg17[%swap3A_179, %swap3A_180], %swap3A_183 {strides = array<i32>} : memref<50x80xf32, #tpu.memory_space<vmem>>, vector<1x16xf32>,
          %scan3A_184 = arith.constant 0 : i32
          scf.yield %scan3A_184 : i32
        }
        %scan3A_146 = arith.constant 5 : i32
        %mul3A_147 = arith.constant 2 : i32
        %mul3A_148 = arith.muli %mul3A_147, %sub3A_102 : i32
        %add3A_149 = arith.constant 1 : i32
        %add3A_150 = arith.addi %mul3A_148, %add3A_149 : i32
        "tpu.region"() ({
          %run_scoped3A_157 = tpu.sem_alloc : memref<!tpu.dma_semaphore, #tpu.memory_space<semaphore_mem>>
          %dma_start3A_158 = arith.constant 0 : i32
          %dma_start3A_159 = tpu.memref_slice %arg13[%add3A_150, %dma_start3A_158] : memref<50x80xi32, #tpu.memory_space<vmem>> -> memref<1x80xi32, #tpu.memory_space<vmem>>
          %dma_start3A_160 = tpu.memref_squeeze %dma_start3A_159 : memref<1x80xi32, #tpu.memory_space<vmem>> -> memref<80xi32, #tpu.memory_space<vmem>>
          %dma_start3A_161 = arith.constant 0 : i32
          %dma_start3A_162 = arith.constant 0 : i32
          %dma_start3A_163 = tpu.memref_slice %arg20[%dma_start3A_161, %dma_start3A_162] : memref<10000x128xf32, #tpu.memory_space<vmem_shared>> -> memref<10000x128xf32, #tpu.memory_space<vmem_shared>>
          tpu.enqueue_indirect_dma source(%arg16 : memref<80x128xf32, #tpu.memory_space<vmem>>) target(%dma_start3A_163 : memref<10000x128xf32, #tpu.memory_space<vmem_shared>>) offsets(%dma_start3A_160 : memref<80xi32, #tpu.memory_space<vmem>>) semaphore(%run_scoped3A_157 : memref<!tpu.dma_semaphore, #tpu.memory_space<semaphore_mem>>) {add = true}
          %dma_wait3A_164 = arith.constant 0 : i32
          %dma_wait3A_165 = tpu.memref_slice %arg13[%add3A_150, %dma_wait3A_164] : memref<50x80xi32, #tpu.memory_space<vmem>> -> memref<1x80xi32, #tpu.memory_space<vmem>>
          %dma_wait3A_166 = tpu.memref_squeeze %dma_wait3A_165 : memref<1x80xi32, #tpu.memory_space<vmem>> -> memref<80xi32, #tpu.memory_space<vmem>>
          %dma_wait3A_167 = arith.constant 0 : i32
          %dma_wait3A_168 = arith.constant 0 : i32
          %dma_wait3A_169 = tpu.memref_slice %arg20[%dma_wait3A_167, %dma_wait3A_168] : memref<10000x128xf32, #tpu.memory_space<vmem_shared>> -> memref<10000x128xf32, #tpu.memory_space<vmem_shared>>
          tpu.wait_indirect_dma semaphore(%run_scoped3A_157 : memref<!tpu.dma_semaphore, #tpu.memory_space<semaphore_mem>>) src(%arg16 : memref<80x128xf32, #tpu.memory_space<vmem>>) dst(%dma_wait3A_169 : memref<10000x128xf32, #tpu.memory_space<vmem_shared>>)
          tpu.yield
        }) : () -> ()
        %eq3A_151 = arith.constant 24 : i32
        %eq3A_152 = arith.cmpi eq, %sub3A_102, %eq3A_151 : i32
        %convert_element_type3A_153 = arith.extui %eq3A_152 : i1 to i32
        %cond3A_154 = arith.constant 0 : i32
        %cond3A_155 = arith.cmpi ne, %convert_element_type3A_153, %cond3A_154 : i32
        scf.if %cond3A_155 {
          %run_scoped3A_157 = arith.constant 0 : i32
          "tpu.region"() ({
            %run_scoped3A_158 = tpu.sem_alloc : memref<!tpu.dma_semaphore, #tpu.memory_space<semaphore_mem>>
            %dma_start3A_159 = arith.constant 0 : i32
            %dma_start3A_160 = arith.constant 0 : i32
            %dma_start3A_161 = tpu.memref_slice %arg12[%run_scoped3A_157, %arg1, %select_n3A, %dma_start3A_159, %dma_start3A_160] : memref<2x16x5x50x80xf32, #tpu.memory_space<hbm>> -> memref<1x1x1x50x80xf32, #tpu.memory_space<hbm>>
            %dma_start3A_162 = tpu.memref_squeeze %dma_start3A_161 : memref<1x1x1x50x80xf32, #tpu.memory_space<hbm>> -> memref<50x80xf32, #tpu.memory_space<hbm>>
            %dma_start3A_163 = arith.constant 0 : i32
            %dma_start3A_164 = arith.constant 0 : i32
            %dma_start3A_165 = tpu.memref_slice %arg12[%run_scoped3A_157, %arg1, %select_n3A, %dma_start3A_163, %dma_start3A_164] : memref<2x16x5x50x80xf32, #tpu.memory_space<hbm>> -> memref<1x1x1x50x80xf32, #tpu.memory_space<hbm>>
            %dma_start3A_166 = tpu.memref_squeeze %dma_start3A_165 : memref<1x1x1x50x80xf32, #tpu.memory_space<hbm>> -> memref<50x80xf32, #tpu.memory_space<hbm>>
            tpu.enqueue_dma source(%arg17 : memref<50x80xf32, #tpu.memory_space<vmem>>) target(%dma_start3A_166 : memref<50x80xf32, #tpu.memory_space<hbm>>) target_semaphore(%run_scoped3A_158 : memref<!tpu.dma_semaphore, #tpu.memory_space<semaphore_mem>>)
            %dma_wait3A_167 = arith.constant 0 : i32
            %dma_wait3A_168 = arith.constant 0 : i32
            %dma_wait3A_169 = tpu.memref_slice %arg12[%run_scoped3A_157, %arg1, %select_n3A, %dma_wait3A_167, %dma_wait3A_168] : memref<2x16x5x50x80xf32, #tpu.memory_space<hbm>> -> memref<1x1x1x50x80xf32, #tpu.memory_space<hbm>>
            %dma_wait3A_170 = tpu.memref_squeeze %dma_wait3A_169 : memref<1x1x1x50x80xf32, #tpu.memory_space<hbm>> -> memref<50x80xf32, #tpu.memory_space<hbm>>
            %dma_wait3A_171 = arith.constant 0 : i32
            %dma_wait3A_172 = arith.constant 0 : i32
            %dma_wait3A_173 = tpu.memref_slice %arg12[%run_scoped3A_157, %arg1, %select_n3A, %dma_wait3A_171, %dma_wait3A_172] : memref<2x16x5x50x80xf32, #tpu.memory_space<hbm>> -> memref<1x1x1x50x80xf32, #tpu.memory_space<hbm>>
            %dma_wait3A_174 = tpu.memref_squeeze %dma_wait3A_173 : memref<1x1x1x50x80xf32, #tpu.memory_space<hbm>> -> memref<50x80xf32, #tpu.memory_space<hbm>>
            tpu.wait_dma2 semaphore(%run_scoped3A_158 : memref<!tpu.dma_semaphore, #tpu.memory_space<semaphore_mem>>) src(%arg17 : memref<50x80xf32, #tpu.memory_space<vmem>>) dst(%dma_wait3A_174 : memref<50x80xf32, #tpu.memory_space<hbm>>)
            tpu.yield
          }) : () -> ()
        } else {
        }
        %scan3A_156 = arith.constant 0 : i32
        scf.yield %scan3A_156 : i32
      }
      %scan3A_81 = arith.constant 125 : i32
    } else {
    }
    %eq3A_6 = arith.constant 1 : i32
    %eq3A_7 = arith.cmpi eq, %arg0, %eq3A_6 : i32
    %convert_element_type3A_8 = arith.extui %eq3A_7 : i1 to i32
    %cond3A_9 = arith.constant 0 : i32
    %cond3A_10 = arith.cmpi ne, %convert_element_type3A_8, %cond3A_9 : i32
    scf.if %cond3A_10 {
      %run_scoped3A = arith.constant 0 : i32
      "tpu.region"() ({
        %run_scoped3A_82 = tpu.sem_alloc : memref<!tpu.dma_semaphore, #tpu.memory_space<semaphore_mem>>
        %dma_start3A = arith.constant 128 : i32
        %dma_start3A_83 = tpu.memref_slice %arg9[%run_scoped3A, %dma_start3A] : memref<2x256xf32, #tpu.memory_space<hbm>> -> memref<1x128xf32, #tpu.memory_space<hbm>>
        %dma_start3A_84 = tpu.memref_squeeze %dma_start3A_83 : memref<1x128xf32, #tpu.memory_space<hbm>> -> memref<128xf32, #tpu.memory_space<hbm>>
        %dma_start3A_85 = arith.constant 128 : i32
        %dma_start3A_86 = tpu.memref_slice %arg9[%run_scoped3A, %dma_start3A_85] : memref<2x256xf32, #tpu.memory_space<hbm>> -> memref<1x128xf32, #tpu.memory_space<hbm>>
        %dma_start3A_87 = tpu.memref_squeeze %dma_start3A_86 : memref<1x128xf32, #tpu.memory_space<hbm>> -> memref<128xf32, #tpu.memory_space<hbm>>
        tpu.enqueue_dma source(%dma_start3A_87 : memref<128xf32, #tpu.memory_space<hbm>>) target(%arg18 : memref<128xf32, #tpu.memory_space<vmem>>) target_semaphore(%run_scoped3A_82 : memref<!tpu.dma_semaphore, #tpu.memory_space<semaphore_mem>>)
        %dma_wait3A = arith.constant 128 : i32
        %dma_wait3A_88 = tpu.memref_slice %arg9[%run_scoped3A, %dma_wait3A] : memref<2x256xf32, #tpu.memory_space<hbm>> -> memref<1x128xf32, #tpu.memory_space<hbm>>
        %dma_wait3A_89 = tpu.memref_squeeze %dma_wait3A_88 : memref<1x128xf32, #tpu.memory_space<hbm>> -> memref<128xf32, #tpu.memory_space<hbm>>
        %dma_wait3A_90 = arith.constant 128 : i32
        %dma_wait3A_91 = tpu.memref_slice %arg9[%run_scoped3A, %dma_wait3A_90] : memref<2x256xf32, #tpu.memory_space<hbm>> -> memref<1x128xf32, #tpu.memory_space<hbm>>
        %dma_wait3A_92 = tpu.memref_squeeze %dma_wait3A_91 : memref<1x128xf32, #tpu.memory_space<hbm>> -> memref<128xf32, #tpu.memory_space<hbm>>
        tpu.wait_dma2 semaphore(%run_scoped3A_82 : memref<!tpu.dma_semaphore, #tpu.memory_space<semaphore_mem>>) src(%dma_wait3A_92 : memref<128xf32, #tpu.memory_space<hbm>>) dst(%arg18 : memref<128xf32, #tpu.memory_space<vmem>>)
        tpu.yield
      }) : () -> ()
      %run_scoped3A_27 = arith.constant 1 : i32
      "tpu.region"() ({
        %run_scoped3A_82 = tpu.sem_alloc : memref<!tpu.dma_semaphore, #tpu.memory_space<semaphore_mem>>
        %dma_start3A = arith.constant 128 : i32
        %dma_start3A_83 = tpu.memref_slice %arg9[%run_scoped3A_27, %dma_start3A] : memref<2x256xf32, #tpu.memory_space<hbm>> -> memref<1x128xf32, #tpu.memory_space<hbm>>
        %dma_start3A_84 = tpu.memref_squeeze %dma_start3A_83 : memref<1x128xf32, #tpu.memory_space<hbm>> -> memref<128xf32, #tpu.memory_space<hbm>>
        %dma_start3A_85 = arith.constant 128 : i32
        %dma_start3A_86 = tpu.memref_slice %arg9[%run_scoped3A_27, %dma_start3A_85] : memref<2x256xf32, #tpu.memory_space<hbm>> -> memref<1x128xf32, #tpu.memory_space<hbm>>
        %dma_start3A_87 = tpu.memref_squeeze %dma_start3A_86 : memref<1x128xf32, #tpu.memory_space<hbm>> -> memref<128xf32, #tpu.memory_space<hbm>>
        tpu.enqueue_dma source(%dma_start3A_87 : memref<128xf32, #tpu.memory_space<hbm>>) target(%arg19 : memref<128xf32, #tpu.memory_space<vmem>>) target_semaphore(%run_scoped3A_82 : memref<!tpu.dma_semaphore, #tpu.memory_space<semaphore_mem>>)
        %dma_wait3A = arith.constant 128 : i32
        %dma_wait3A_88 = tpu.memref_slice %arg9[%run_scoped3A_27, %dma_wait3A] : memref<2x256xf32, #tpu.memory_space<hbm>> -> memref<1x128xf32, #tpu.memory_space<hbm>>
        %dma_wait3A_89 = tpu.memref_squeeze %dma_wait3A_88 : memref<1x128xf32, #tpu.memory_space<hbm>> -> memref<128xf32, #tpu.memory_space<hbm>>
        %dma_wait3A_90 = arith.constant 128 : i32
        %dma_wait3A_91 = tpu.memref_slice %arg9[%run_scoped3A_27, %dma_wait3A_90] : memref<2x256xf32, #tpu.memory_space<hbm>> -> memref<1x128xf32, #tpu.memory_space<hbm>>
        %dma_wait3A_92 = tpu.memref_squeeze %dma_wait3A_91 : memref<1x128xf32, #tpu.memory_space<hbm>> -> memref<128xf32, #tpu.memory_space<hbm>>
        tpu.wait_dma2 semaphore(%run_scoped3A_82 : memref<!tpu.dma_semaphore, #tpu.memory_space<semaphore_mem>>) src(%dma_wait3A_92 : memref<128xf32, #tpu.memory_space<hbm>>) dst(%arg19 : memref<128xf32, #tpu.memory_space<vmem>>)
        tpu.yield
      }) : () -> ()
      %get3A = arith.constant 0 : index
      %get3A_28 = tpu.vector_load %arg18[%get3A] {strides = array<i32>} : memref<128xf32, #tpu.memory_space<vmem>>, vector<16xf32>,
      %get3A_29 = vector.shape_cast %get3A_28 : vector<16xf32> to vector<16xf32>
      %get3A_30 = arith.constant 16 : index
      %get3A_31 = tpu.vector_load %arg18[%get3A_30] {strides = array<i32>} : memref<128xf32, #tpu.memory_space<vmem>>, vector<16xf32>,
      %get3A_32 = vector.shape_cast %get3A_31 : vector<16xf32> to vector<16xf32>
      %get3A_33 = arith.constant 32 : index
      %get3A_34 = tpu.vector_load %arg18[%get3A_33] {strides = array<i32>} : memref<128xf32, #tpu.memory_space<vmem>>, vector<16xf32>,
      %get3A_35 = vector.shape_cast %get3A_34 : vector<16xf32> to vector<16xf32>
      %get3A_36 = arith.constant 48 : index
      %get3A_37 = tpu.vector_load %arg18[%get3A_36] {strides = array<i32>} : memref<128xf32, #tpu.memory_space<vmem>>, vector<16xf32>,
      %get3A_38 = vector.shape_cast %get3A_37 : vector<16xf32> to vector<16xf32>
      %get3A_39 = arith.constant 64 : index
      %get3A_40 = tpu.vector_load %arg18[%get3A_39] {strides = array<i32>} : memref<128xf32, #tpu.memory_space<vmem>>, vector<16xf32>,
      %get3A_41 = vector.shape_cast %get3A_40 : vector<16xf32> to vector<16xf32>
      %get3A_42 = arith.constant 80 : index
      %get3A_43 = tpu.vector_load %arg18[%get3A_42] {strides = array<i32>} : memref<128xf32, #tpu.memory_space<vmem>>, vector<16xf32>,
      %get3A_44 = vector.shape_cast %get3A_43 : vector<16xf32> to vector<16xf32>
      %get3A_45 = arith.constant 96 : index
      %get3A_46 = tpu.vector_load %arg18[%get3A_45] {strides = array<i32>} : memref<128xf32, #tpu.memory_space<vmem>>, vector<16xf32>,
      %get3A_47 = vector.shape_cast %get3A_46 : vector<16xf32> to vector<16xf32>
      %get3A_48 = arith.constant 112 : index
      %get3A_49 = tpu.vector_load %arg18[%get3A_48] {strides = array<i32>} : memref<128xf32, #tpu.memory_space<vmem>>, vector<16xf32>,
      %get3A_50 = vector.shape_cast %get3A_49 : vector<16xf32> to vector<16xf32>
      %get3A_51 = arith.constant 0 : index
      %get3A_52 = tpu.vector_load %arg19[%get3A_51] {strides = array<i32>} : memref<128xf32, #tpu.memory_space<vmem>>, vector<16xf32>,
      %get3A_53 = vector.shape_cast %get3A_52 : vector<16xf32> to vector<16xf32>
      %get3A_54 = arith.constant 16 : index
      %get3A_55 = tpu.vector_load %arg19[%get3A_54] {strides = array<i32>} : memref<128xf32, #tpu.memory_space<vmem>>, vector<16xf32>,
      %get3A_56 = vector.shape_cast %get3A_55 : vector<16xf32> to vector<16xf32>
      %get3A_57 = arith.constant 32 : index
      %get3A_58 = tpu.vector_load %arg19[%get3A_57] {strides = array<i32>} : memref<128xf32, #tpu.memory_space<vmem>>, vector<16xf32>,
      %get3A_59 = vector.shape_cast %get3A_58 : vector<16xf32> to vector<16xf32>
      %get3A_60 = arith.constant 48 : index
      %get3A_61 = tpu.vector_load %arg19[%get3A_60] {strides = array<i32>} : memref<128xf32, #tpu.memory_space<vmem>>, vector<16xf32>,
      %get3A_62 = vector.shape_cast %get3A_61 : vector<16xf32> to vector<16xf32>
      %get3A_63 = arith.constant 64 : index
      %get3A_64 = tpu.vector_load %arg19[%get3A_63] {strides = array<i32>} : memref<128xf32, #tpu.memory_space<vmem>>, vector<16xf32>,
      %get3A_65 = vector.shape_cast %get3A_64 : vector<16xf32> to vector<16xf32>
      %get3A_66 = arith.constant 80 : index
      %get3A_67 = tpu.vector_load %arg19[%get3A_66] {strides = array<i32>} : memref<128xf32, #tpu.memory_space<vmem>>, vector<16xf32>,
      %get3A_68 = vector.shape_cast %get3A_67 : vector<16xf32> to vector<16xf32>
      %get3A_69 = arith.constant 96 : index
      %get3A_70 = tpu.vector_load %arg19[%get3A_69] {strides = array<i32>} : memref<128xf32, #tpu.memory_space<vmem>>, vector<16xf32>,
      %get3A_71 = vector.shape_cast %get3A_70 : vector<16xf32> to vector<16xf32>
      %get3A_72 = arith.constant 112 : index
      %get3A_73 = tpu.vector_load %arg19[%get3A_72] {strides = array<i32>} : memref<128xf32, #tpu.memory_space<vmem>>, vector<16xf32>,
      %get3A_74 = vector.shape_cast %get3A_73 : vector<16xf32> to vector<16xf32>
      %iota3A = tpu.iota {dimensions = array<i32: 0>} : vector<16xi32>
      %broadcast_in_dim3A = arith.constant 0.000000e+00 : f32
      %broadcast_in_dim3A_75 = vector.broadcast %broadcast_in_dim3A : f32 to vector<16xf32>
      %scan3A = arith.constant 0 : i32
      %scan3A_76 = arith.constant 0 : i32
      %scan3A_77 = arith.constant 125 : i32
      %scan3A_78 = arith.addi %scan3A_76, %scan3A_77 : i32
      %scan3A_79 = arith.constant 1 : i32
      %scan3A_80 = scf.for %scan3A_82 = %scan3A_76 to %scan3A_78 step %scan3A_79 iter_args(%scan3A_83 = %scan3A) -> (i32)  : i32 {
        %jit3A = arith.constant 25 : i32
        %div3A = arith.divsi %scan3A_82, %jit3A : i32
        %sign3A = arith.constant 0 : i32
        %sign3A_84 = arith.cmpi sgt, %scan3A_82, %sign3A : i32
        %sign3A_85 = arith.extui %sign3A_84 : i1 to i32
        %sign3A_86 = arith.constant 0 : i32
        %sign3A_87 = arith.cmpi slt, %scan3A_82, %sign3A_86 : i32
        %sign3A_88 = arith.extui %sign3A_87 : i1 to i32
        %sign3A_89 = arith.subi %sign3A_85, %sign3A_88 : i32
        %sign3A_90 = arith.constant 0 : i32
        %sign3A_91 = arith.cmpi sgt, %jit3A, %sign3A_90 : i32
        %sign3A_92 = arith.extui %sign3A_91 : i1 to i32
        %sign3A_93 = arith.constant 0 : i32
        %sign3A_94 = arith.cmpi slt, %jit3A, %sign3A_93 : i32
        %sign3A_95 = arith.extui %sign3A_94 : i1 to i32
        %sign3A_96 = arith.subi %sign3A_92, %sign3A_95 : i32
        %ne3A = arith.cmpi ne, %sign3A_89, %sign3A_96 : i32
        %rem3A = arith.remsi %scan3A_82, %jit3A : i32
        %ne3A_97 = arith.constant 0 : i32
        %ne3A_98 = arith.cmpi ne, %rem3A, %ne3A_97 : i32
        %and3A_99 = arith.andi %ne3A, %ne3A_98 : i1
        %sub3A = arith.constant 1 : i32
        %sub3A_100 = arith.subi %div3A, %sub3A : i32
        %select_n3A = arith.select %and3A_99, %sub3A_100, %div3A : i32
        %mul3A = arith.constant 25 : i32
        %mul3A_101 = arith.muli %select_n3A, %mul3A : i32
        %sub3A_102 = arith.subi %scan3A_82, %mul3A_101 : i32
        %eq3A_103 = arith.constant 0 : i32
        %eq3A_104 = arith.cmpi eq, %sub3A_102, %eq3A_103 : i32
        %convert_element_type3A_105 = arith.extui %eq3A_104 : i1 to i32
        %cond3A_106 = arith.constant 0 : i32
        %cond3A_107 = arith.cmpi ne, %convert_element_type3A_105, %cond3A_106 : i32
        scf.if %cond3A_107 {
          "tpu.region"() ({
            %run_scoped3A_157 = tpu.sem_alloc : memref<!tpu.dma_semaphore, #tpu.memory_space<semaphore_mem>>
            %dma_start3A_158 = arith.constant 0 : i32
            %dma_start3A_159 = arith.constant 0 : i32
            %dma_start3A_160 = tpu.memref_slice %arg8[%arg1, %select_n3A, %dma_start3A_158, %dma_start3A_159] : memref<16x5x50x80xi32, #tpu.memory_space<hbm>> -> memref<1x1x50x80xi32, #tpu.memory_space<hbm>>
            %dma_start3A_161 = tpu.memref_squeeze %dma_start3A_160 : memref<1x1x50x80xi32, #tpu.memory_space<hbm>> -> memref<50x80xi32, #tpu.memory_space<hbm>>
            %dma_start3A_162 = arith.constant 0 : i32
            %dma_start3A_163 = arith.constant 0 : i32
            %dma_start3A_164 = tpu.memref_slice %arg8[%arg1, %select_n3A, %dma_start3A_162, %dma_start3A_163] : memref<16x5x50x80xi32, #tpu.memory_space<hbm>> -> memref<1x1x50x80xi32, #tpu.memory_space<hbm>>
            %dma_start3A_165 = tpu.memref_squeeze %dma_start3A_164 : memref<1x1x50x80xi32, #tpu.memory_space<hbm>> -> memref<50x80xi32, #tpu.memory_space<hbm>>
            tpu.enqueue_dma source(%dma_start3A_165 : memref<50x80xi32, #tpu.memory_space<hbm>>) target(%arg13 : memref<50x80xi32, #tpu.memory_space<vmem>>) target_semaphore(%run_scoped3A_157 : memref<!tpu.dma_semaphore, #tpu.memory_space<semaphore_mem>>)
            %dma_wait3A_166 = arith.constant 0 : i32
            %dma_wait3A_167 = arith.constant 0 : i32
            %dma_wait3A_168 = tpu.memref_slice %arg8[%arg1, %select_n3A, %dma_wait3A_166, %dma_wait3A_167] : memref<16x5x50x80xi32, #tpu.memory_space<hbm>> -> memref<1x1x50x80xi32, #tpu.memory_space<hbm>>
            %dma_wait3A_169 = tpu.memref_squeeze %dma_wait3A_168 : memref<1x1x50x80xi32, #tpu.memory_space<hbm>> -> memref<50x80xi32, #tpu.memory_space<hbm>>
            %dma_wait3A_170 = arith.constant 0 : i32
            %dma_wait3A_171 = arith.constant 0 : i32
            %dma_wait3A_172 = tpu.memref_slice %arg8[%arg1, %select_n3A, %dma_wait3A_170, %dma_wait3A_171] : memref<16x5x50x80xi32, #tpu.memory_space<hbm>> -> memref<1x1x50x80xi32, #tpu.memory_space<hbm>>
            %dma_wait3A_173 = tpu.memref_squeeze %dma_wait3A_172 : memref<1x1x50x80xi32, #tpu.memory_space<hbm>> -> memref<50x80xi32, #tpu.memory_space<hbm>>
            tpu.wait_dma2 semaphore(%run_scoped3A_157 : memref<!tpu.dma_semaphore, #tpu.memory_space<semaphore_mem>>) src(%dma_wait3A_173 : memref<50x80xi32, #tpu.memory_space<hbm>>) dst(%arg13 : memref<50x80xi32, #tpu.memory_space<vmem>>)
            tpu.yield
          }) : () -> ()
        } else {
        }
        %mul3A_108 = arith.constant 2 : i32
        %mul3A_109 = arith.muli %mul3A_108, %sub3A_102 : i32
        %dma_start3A = arith.constant 0 : i32
        %dma_start3A_110 = tpu.memref_slice %arg13[%mul3A_109, %dma_start3A] : memref<50x80xi32, #tpu.memory_space<vmem>> -> memref<1x80xi32, #tpu.memory_space<vmem>>
        %dma_start3A_111 = tpu.memref_squeeze %dma_start3A_110 : memref<1x80xi32, #tpu.memory_space<vmem>> -> memref<80xi32, #tpu.memory_space<vmem>>
        %dma_start3A_112 = arith.constant 0 : i32
        %dma_start3A_113 = arith.constant 0 : i32
        %dma_start3A_114 = tpu.memref_slice %arg3[%dma_start3A_112, %dma_start3A_113] : memref<10000x128xf32, #tpu.memory_space<hbm>> -> memref<10000x128xf32, #tpu.memory_space<hbm>>
        tpu.enqueue_indirect_dma source(%dma_start3A_114 : memref<10000x128xf32, #tpu.memory_space<hbm>>) target(%arg14 : memref<80x128xf32, #tpu.memory_space<vmem>>) offsets(%dma_start3A_111 : memref<80xi32, #tpu.memory_space<vmem>>) semaphore(%arg21 : memref<!tpu.dma_semaphore, #tpu.memory_space<semaphore_mem>>)
        %mul3A_115 = arith.constant 2 : i32
        %mul3A_116 = arith.muli %mul3A_115, %sub3A_102 : i32
        %add3A = arith.constant 1 : i32
        %add3A_117 = arith.addi %mul3A_116, %add3A : i32
        %dma_start3A_118 = arith.constant 0 : i32
        %dma_start3A_119 = tpu.memref_slice %arg13[%add3A_117, %dma_start3A_118] : memref<50x80xi32, #tpu.memory_space<vmem>> -> memref<1x80xi32, #tpu.memory_space<vmem>>
        %dma_start3A_120 = tpu.memref_squeeze %dma_start3A_119 : memref<1x80xi32, #tpu.memory_space<vmem>> -> memref<80xi32, #tpu.memory_space<vmem>>
        %dma_start3A_121 = arith.constant 0 : i32
        %dma_start3A_122 = arith.constant 0 : i32
        %dma_start3A_123 = tpu.memref_slice %arg5[%dma_start3A_121, %dma_start3A_122] : memref<10000x128xf32, #tpu.memory_space<hbm>> -> memref<10000x128xf32, #tpu.memory_space<hbm>>
        tpu.enqueue_indirect_dma source(%dma_start3A_123 : memref<10000x128xf32, #tpu.memory_space<hbm>>) target(%arg15 : memref<80x128xf32, #tpu.memory_space<vmem>>) offsets(%dma_start3A_120 : memref<80xi32, #tpu.memory_space<vmem>>) semaphore(%arg22 : memref<!tpu.dma_semaphore, #tpu.memory_space<semaphore_mem>>)
        %mul3A_124 = arith.constant 10000 : i32
        %mul3A_125 = arith.muli %arg1, %mul3A_124 : i32
        %mul3A_126 = arith.constant 80 : i32
        %mul3A_127 = arith.muli %scan3A_82, %mul3A_126 : i32
        %add3A_128 = arith.addi %mul3A_125, %mul3A_127 : i32
        "tpu.region"() ({
          %run_scoped3A_157 = tpu.sem_alloc : memref<!tpu.dma_semaphore, #tpu.memory_space<semaphore_mem>>
          %dma_start3A_158 = arith.constant 0 : i32
          %dma_start3A_159 = tpu.memref_slice %arg7[%add3A_128, %dma_start3A_158] : memref<160000x128xf32, #tpu.memory_space<hbm>> -> memref<80x128xf32, #tpu.memory_space<hbm>>
          %dma_start3A_160 = arith.constant 0 : i32
          %dma_start3A_161 = tpu.memref_slice %arg7[%add3A_128, %dma_start3A_160] : memref<160000x128xf32, #tpu.memory_space<hbm>> -> memref<80x128xf32, #tpu.memory_space<hbm>>
          tpu.enqueue_dma source(%dma_start3A_161 : memref<80x128xf32, #tpu.memory_space<hbm>>) target(%arg16 : memref<80x128xf32, #tpu.memory_space<vmem>>) target_semaphore(%run_scoped3A_157 : memref<!tpu.dma_semaphore, #tpu.memory_space<semaphore_mem>>)
          %dma_wait3A_162 = arith.constant 0 : i32
          %dma_wait3A_163 = tpu.memref_slice %arg7[%add3A_128, %dma_wait3A_162] : memref<160000x128xf32, #tpu.memory_space<hbm>> -> memref<80x128xf32, #tpu.memory_space<hbm>>
          %dma_wait3A_164 = arith.constant 0 : i32
          %dma_wait3A_165 = tpu.memref_slice %arg7[%add3A_128, %dma_wait3A_164] : memref<160000x128xf32, #tpu.memory_space<hbm>> -> memref<80x128xf32, #tpu.memory_space<hbm>>
          tpu.wait_dma2 semaphore(%run_scoped3A_157 : memref<!tpu.dma_semaphore, #tpu.memory_space<semaphore_mem>>) src(%dma_wait3A_165 : memref<80x128xf32, #tpu.memory_space<hbm>>) dst(%arg16 : memref<80x128xf32, #tpu.memory_space<vmem>>)
          tpu.yield
        }) : () -> ()
        %dma_wait3A = arith.constant 0 : i32
        %dma_wait3A_129 = tpu.memref_slice %arg13[%mul3A_109, %dma_wait3A] : memref<50x80xi32, #tpu.memory_space<vmem>> -> memref<1x80xi32, #tpu.memory_space<vmem>>
        %dma_wait3A_130 = tpu.memref_squeeze %dma_wait3A_129 : memref<1x80xi32, #tpu.memory_space<vmem>> -> memref<80xi32, #tpu.memory_space<vmem>>
        %dma_wait3A_131 = arith.constant 0 : i32
        %dma_wait3A_132 = arith.constant 0 : i32
        %dma_wait3A_133 = tpu.memref_slice %arg3[%dma_wait3A_131, %dma_wait3A_132] : memref<10000x128xf32, #tpu.memory_space<hbm>> -> memref<10000x128xf32, #tpu.memory_space<hbm>>
        tpu.wait_indirect_dma semaphore(%arg21 : memref<!tpu.dma_semaphore, #tpu.memory_space<semaphore_mem>>) src(%dma_wait3A_133 : memref<10000x128xf32, #tpu.memory_space<hbm>>) dst(%arg14 : memref<80x128xf32, #tpu.memory_space<vmem>>)
        %dma_wait3A_134 = arith.constant 0 : i32
        %dma_wait3A_135 = tpu.memref_slice %arg13[%add3A_117, %dma_wait3A_134] : memref<50x80xi32, #tpu.memory_space<vmem>> -> memref<1x80xi32, #tpu.memory_space<vmem>>
        %dma_wait3A_136 = tpu.memref_squeeze %dma_wait3A_135 : memref<1x80xi32, #tpu.memory_space<vmem>> -> memref<80xi32, #tpu.memory_space<vmem>>
        %dma_wait3A_137 = arith.constant 0 : i32
        %dma_wait3A_138 = arith.constant 0 : i32
        %dma_wait3A_139 = tpu.memref_slice %arg5[%dma_wait3A_137, %dma_wait3A_138] : memref<10000x128xf32, #tpu.memory_space<hbm>> -> memref<10000x128xf32, #tpu.memory_space<hbm>>
        tpu.wait_indirect_dma semaphore(%arg22 : memref<!tpu.dma_semaphore, #tpu.memory_space<semaphore_mem>>) src(%dma_wait3A_139 : memref<10000x128xf32, #tpu.memory_space<hbm>>) dst(%arg15 : memref<80x128xf32, #tpu.memory_space<vmem>>)
        %scan3A_140 = arith.constant 0 : i32
        %scan3A_141 = arith.constant 0 : i32
        %scan3A_142 = arith.constant 5 : i32
        %scan3A_143 = arith.addi %scan3A_141, %scan3A_142 : i32
        %scan3A_144 = arith.constant 1 : i32
        %scan3A_145 = scf.for %scan3A_157 = %scan3A_141 to %scan3A_143 step %scan3A_144 iter_args(%scan3A_158 = %scan3A_140) -> (i32)  : i32 {
          %scan3A_159 = arith.constant 0 : i32
          %scan3A_160 = arith.constant 16 : i32
          %scan3A_161 = arith.addi %scan3A_159, %scan3A_160 : i32
          %scan3A_162 = arith.constant 1 : i32
          %scan3A_163:2 = scf.for %scan3A_185 = %scan3A_159 to %scan3A_161 step %scan3A_162 iter_args(%scan3A_186 = %broadcast_in_dim3A_75, %scan3A_187 = %broadcast_in_dim3A_75) -> (vector<16xf32>, vector<16xf32>)  : i32 {
            %mul3A_188 = arith.constant 16 : i32
            %mul3A_189 = arith.muli %scan3A_157, %mul3A_188 : i32
            %add3A_190 = arith.addi %mul3A_189, %scan3A_185 : i32
            %get3A_191 = arith.index_cast %add3A_190 : i32 to index
            %get3A_192 = arith.constant 0 : index
            %get3A_193 = tpu.vector_load %arg14[%get3A_191, %get3A_192] {strides = array<i32>} : memref<80x128xf32, #tpu.memory_space<vmem>>, vector<1x16xf32>,
            %get3A_194 = vector.shape_cast %get3A_193 : vector<1x16xf32> to vector<16xf32>
            %get3A_195 = arith.index_cast %add3A_190 : i32 to index
            %get3A_196 = arith.constant 0 : index
            %get3A_197 = tpu.vector_load %arg15[%get3A_195, %get3A_196] {strides = array<i32>} : memref<80x128xf32, #tpu.memory_space<vmem>>, vector<1x16xf32>,
            %get3A_198 = vector.shape_cast %get3A_197 : vector<1x16xf32> to vector<16xf32>
            %add3A_199 = arith.addf %get3A_194, %get3A_198 : vector<16xf32>
            %get3A_200 = arith.index_cast %add3A_190 : i32 to index
            %get3A_201 = arith.constant 0 : index
            %get3A_202 = tpu.vector_load %arg16[%get3A_200, %get3A_201] {strides = array<i32>} : memref<80x128xf32, #tpu.memory_space<vmem>>, vector<1x16xf32>,
            %get3A_203 = vector.shape_cast %get3A_202 : vector<1x16xf32> to vector<16xf32>
            %add3A_204 = arith.addf %add3A_199, %get3A_203 : vector<16xf32>
            %max3A = arith.constant 0.000000e+00 : f32
            %max3A_205 = vector.broadcast %max3A : f32 to vector<16xf32>
            %max3A_206 = arith.maximumf %add3A_204, %max3A_205 : vector<16xf32>
            %swap3A_207 = arith.index_cast %add3A_190 : i32 to index
            %swap3A_208 = arith.constant 0 : index
            %swap3A_209 = tpu.vector_load %arg16[%swap3A_207, %swap3A_208] {strides = array<i32>} : memref<80x128xf32, #tpu.memory_space<vmem>>, vector<1x16xf32>,
            %swap3A_210 = vector.shape_cast %swap3A_209 : vector<1x16xf32> to vector<16xf32>
            %swap3A_211 = vector.shape_cast %max3A_206 : vector<16xf32> to vector<1x16xf32>
            tpu.vector_store %arg16[%swap3A_207, %swap3A_208], %swap3A_211 {strides = array<i32>} : memref<80x128xf32, #tpu.memory_space<vmem>>, vector<1x16xf32>,
            %mul3A_212 = arith.mulf %max3A_206, %get3A_29 : vector<16xf32>
            %add3A_213 = arith.addf %broadcast_in_dim3A_75, %mul3A_212 : vector<16xf32>
            %mul3A_214 = arith.mulf %max3A_206, %get3A_53 : vector<16xf32>
            %add3A_215 = arith.addf %broadcast_in_dim3A_75, %mul3A_214 : vector<16xf32>
            %get3A_216 = arith.index_cast %add3A_190 : i32 to index
            %get3A_217 = arith.constant 16 : index
            %get3A_218 = tpu.vector_load %arg14[%get3A_216, %get3A_217] {strides = array<i32>} : memref<80x128xf32, #tpu.memory_space<vmem>>, vector<1x16xf32>,
            %get3A_219 = vector.shape_cast %get3A_218 : vector<1x16xf32> to vector<16xf32>
            %get3A_220 = arith.index_cast %add3A_190 : i32 to index
            %get3A_221 = arith.constant 16 : index
            %get3A_222 = tpu.vector_load %arg15[%get3A_220, %get3A_221] {strides = array<i32>} : memref<80x128xf32, #tpu.memory_space<vmem>>, vector<1x16xf32>,
            %get3A_223 = vector.shape_cast %get3A_222 : vector<1x16xf32> to vector<16xf32>
            %add3A_224 = arith.addf %get3A_219, %get3A_223 : vector<16xf32>
            %get3A_225 = arith.index_cast %add3A_190 : i32 to index
            %get3A_226 = arith.constant 16 : index
            %get3A_227 = tpu.vector_load %arg16[%get3A_225, %get3A_226] {strides = array<i32>} : memref<80x128xf32, #tpu.memory_space<vmem>>, vector<1x16xf32>,
            %get3A_228 = vector.shape_cast %get3A_227 : vector<1x16xf32> to vector<16xf32>
            %add3A_229 = arith.addf %add3A_224, %get3A_228 : vector<16xf32>
            %max3A_230 = arith.constant 0.000000e+00 : f32
            %max3A_231 = vector.broadcast %max3A_230 : f32 to vector<16xf32>
            %max3A_232 = arith.maximumf %add3A_229, %max3A_231 : vector<16xf32>
            %swap3A_233 = arith.index_cast %add3A_190 : i32 to index
            %swap3A_234 = arith.constant 16 : index
            %swap3A_235 = tpu.vector_load %arg16[%swap3A_233, %swap3A_234] {strides = array<i32>} : memref<80x128xf32, #tpu.memory_space<vmem>>, vector<1x16xf32>,
            %swap3A_236 = vector.shape_cast %swap3A_235 : vector<1x16xf32> to vector<16xf32>
            %swap3A_237 = vector.shape_cast %max3A_232 : vector<16xf32> to vector<1x16xf32>
            tpu.vector_store %arg16[%swap3A_233, %swap3A_234], %swap3A_237 {strides = array<i32>} : memref<80x128xf32, #tpu.memory_space<vmem>>, vector<1x16xf32>,
            %mul3A_238 = arith.mulf %max3A_232, %get3A_32 : vector<16xf32>
            %add3A_239 = arith.addf %add3A_213, %mul3A_238 : vector<16xf32>
            %mul3A_240 = arith.mulf %max3A_232, %get3A_56 : vector<16xf32>
            %add3A_241 = arith.addf %add3A_215, %mul3A_240 : vector<16xf32>
            %get3A_242 = arith.index_cast %add3A_190 : i32 to index
            %get3A_243 = arith.constant 32 : index
            %get3A_244 = tpu.vector_load %arg14[%get3A_242, %get3A_243] {strides = array<i32>} : memref<80x128xf32, #tpu.memory_space<vmem>>, vector<1x16xf32>,
            %get3A_245 = vector.shape_cast %get3A_244 : vector<1x16xf32> to vector<16xf32>
            %get3A_246 = arith.index_cast %add3A_190 : i32 to index
            %get3A_247 = arith.constant 32 : index
            %get3A_248 = tpu.vector_load %arg15[%get3A_246, %get3A_247] {strides = array<i32>} : memref<80x128xf32, #tpu.memory_space<vmem>>, vector<1x16xf32>,
            %get3A_249 = vector.shape_cast %get3A_248 : vector<1x16xf32> to vector<16xf32>
            %add3A_250 = arith.addf %get3A_245, %get3A_249 : vector<16xf32>
            %get3A_251 = arith.index_cast %add3A_190 : i32 to index
            %get3A_252 = arith.constant 32 : index
            %get3A_253 = tpu.vector_load %arg16[%get3A_251, %get3A_252] {strides = array<i32>} : memref<80x128xf32, #tpu.memory_space<vmem>>, vector<1x16xf32>,
            %get3A_254 = vector.shape_cast %get3A_253 : vector<1x16xf32> to vector<16xf32>
            %add3A_255 = arith.addf %add3A_250, %get3A_254 : vector<16xf32>
            %max3A_256 = arith.constant 0.000000e+00 : f32
            %max3A_257 = vector.broadcast %max3A_256 : f32 to vector<16xf32>
            %max3A_258 = arith.maximumf %add3A_255, %max3A_257 : vector<16xf32>
            %swap3A_259 = arith.index_cast %add3A_190 : i32 to index
            %swap3A_260 = arith.constant 32 : index
            %swap3A_261 = tpu.vector_load %arg16[%swap3A_259, %swap3A_260] {strides = array<i32>} : memref<80x128xf32, #tpu.memory_space<vmem>>, vector<1x16xf32>,
            %swap3A_262 = vector.shape_cast %swap3A_261 : vector<1x16xf32> to vector<16xf32>
            %swap3A_263 = vector.shape_cast %max3A_258 : vector<16xf32> to vector<1x16xf32>
            tpu.vector_store %arg16[%swap3A_259, %swap3A_260], %swap3A_263 {strides = array<i32>} : memref<80x128xf32, #tpu.memory_space<vmem>>, vector<1x16xf32>,
            %mul3A_264 = arith.mulf %max3A_258, %get3A_35 : vector<16xf32>
            %add3A_265 = arith.addf %add3A_239, %mul3A_264 : vector<16xf32>
            %mul3A_266 = arith.mulf %max3A_258, %get3A_59 : vector<16xf32>
            %add3A_267 = arith.addf %add3A_241, %mul3A_266 : vector<16xf32>
            %get3A_268 = arith.index_cast %add3A_190 : i32 to index
            %get3A_269 = arith.constant 48 : index
            %get3A_270 = tpu.vector_load %arg14[%get3A_268, %get3A_269] {strides = array<i32>} : memref<80x128xf32, #tpu.memory_space<vmem>>, vector<1x16xf32>,
            %get3A_271 = vector.shape_cast %get3A_270 : vector<1x16xf32> to vector<16xf32>
            %get3A_272 = arith.index_cast %add3A_190 : i32 to index
            %get3A_273 = arith.constant 48 : index
            %get3A_274 = tpu.vector_load %arg15[%get3A_272, %get3A_273] {strides = array<i32>} : memref<80x128xf32, #tpu.memory_space<vmem>>, vector<1x16xf32>,
            %get3A_275 = vector.shape_cast %get3A_274 : vector<1x16xf32> to vector<16xf32>
            %add3A_276 = arith.addf %get3A_271, %get3A_275 : vector<16xf32>
            %get3A_277 = arith.index_cast %add3A_190 : i32 to index
            %get3A_278 = arith.constant 48 : index
            %get3A_279 = tpu.vector_load %arg16[%get3A_277, %get3A_278] {strides = array<i32>} : memref<80x128xf32, #tpu.memory_space<vmem>>, vector<1x16xf32>,
            %get3A_280 = vector.shape_cast %get3A_279 : vector<1x16xf32> to vector<16xf32>
            %add3A_281 = arith.addf %add3A_276, %get3A_280 : vector<16xf32>
            %max3A_282 = arith.constant 0.000000e+00 : f32
            %max3A_283 = vector.broadcast %max3A_282 : f32 to vector<16xf32>
            %max3A_284 = arith.maximumf %add3A_281, %max3A_283 : vector<16xf32>
            %swap3A_285 = arith.index_cast %add3A_190 : i32 to index
            %swap3A_286 = arith.constant 48 : index
            %swap3A_287 = tpu.vector_load %arg16[%swap3A_285, %swap3A_286] {strides = array<i32>} : memref<80x128xf32, #tpu.memory_space<vmem>>, vector<1x16xf32>,
            %swap3A_288 = vector.shape_cast %swap3A_287 : vector<1x16xf32> to vector<16xf32>
            %swap3A_289 = vector.shape_cast %max3A_284 : vector<16xf32> to vector<1x16xf32>
            tpu.vector_store %arg16[%swap3A_285, %swap3A_286], %swap3A_289 {strides = array<i32>} : memref<80x128xf32, #tpu.memory_space<vmem>>, vector<1x16xf32>,
            %mul3A_290 = arith.mulf %max3A_284, %get3A_38 : vector<16xf32>
            %add3A_291 = arith.addf %add3A_265, %mul3A_290 : vector<16xf32>
            %mul3A_292 = arith.mulf %max3A_284, %get3A_62 : vector<16xf32>
            %add3A_293 = arith.addf %add3A_267, %mul3A_292 : vector<16xf32>
            %get3A_294 = arith.index_cast %add3A_190 : i32 to index
            %get3A_295 = arith.constant 64 : index
            %get3A_296 = tpu.vector_load %arg14[%get3A_294, %get3A_295] {strides = array<i32>} : memref<80x128xf32, #tpu.memory_space<vmem>>, vector<1x16xf32>,
            %get3A_297 = vector.shape_cast %get3A_296 : vector<1x16xf32> to vector<16xf32>
            %get3A_298 = arith.index_cast %add3A_190 : i32 to index
            %get3A_299 = arith.constant 64 : index
            %get3A_300 = tpu.vector_load %arg15[%get3A_298, %get3A_299] {strides = array<i32>} : memref<80x128xf32, #tpu.memory_space<vmem>>, vector<1x16xf32>,
            %get3A_301 = vector.shape_cast %get3A_300 : vector<1x16xf32> to vector<16xf32>
            %add3A_302 = arith.addf %get3A_297, %get3A_301 : vector<16xf32>
            %get3A_303 = arith.index_cast %add3A_190 : i32 to index
            %get3A_304 = arith.constant 64 : index
            %get3A_305 = tpu.vector_load %arg16[%get3A_303, %get3A_304] {strides = array<i32>} : memref<80x128xf32, #tpu.memory_space<vmem>>, vector<1x16xf32>,
            %get3A_306 = vector.shape_cast %get3A_305 : vector<1x16xf32> to vector<16xf32>
            %add3A_307 = arith.addf %add3A_302, %get3A_306 : vector<16xf32>
            %max3A_308 = arith.constant 0.000000e+00 : f32
            %max3A_309 = vector.broadcast %max3A_308 : f32 to vector<16xf32>
            %max3A_310 = arith.maximumf %add3A_307, %max3A_309 : vector<16xf32>
            %swap3A_311 = arith.index_cast %add3A_190 : i32 to index
            %swap3A_312 = arith.constant 64 : index
            %swap3A_313 = tpu.vector_load %arg16[%swap3A_311, %swap3A_312] {strides = array<i32>} : memref<80x128xf32, #tpu.memory_space<vmem>>, vector<1x16xf32>,
            %swap3A_314 = vector.shape_cast %swap3A_313 : vector<1x16xf32> to vector<16xf32>
            %swap3A_315 = vector.shape_cast %max3A_310 : vector<16xf32> to vector<1x16xf32>
            tpu.vector_store %arg16[%swap3A_311, %swap3A_312], %swap3A_315 {strides = array<i32>} : memref<80x128xf32, #tpu.memory_space<vmem>>, vector<1x16xf32>,
            %mul3A_316 = arith.mulf %max3A_310, %get3A_41 : vector<16xf32>
            %add3A_317 = arith.addf %add3A_291, %mul3A_316 : vector<16xf32>
            %mul3A_318 = arith.mulf %max3A_310, %get3A_65 : vector<16xf32>
            %add3A_319 = arith.addf %add3A_293, %mul3A_318 : vector<16xf32>
            %get3A_320 = arith.index_cast %add3A_190 : i32 to index
            %get3A_321 = arith.constant 80 : index
            %get3A_322 = tpu.vector_load %arg14[%get3A_320, %get3A_321] {strides = array<i32>} : memref<80x128xf32, #tpu.memory_space<vmem>>, vector<1x16xf32>,
            %get3A_323 = vector.shape_cast %get3A_322 : vector<1x16xf32> to vector<16xf32>
            %get3A_324 = arith.index_cast %add3A_190 : i32 to index
            %get3A_325 = arith.constant 80 : index
            %get3A_326 = tpu.vector_load %arg15[%get3A_324, %get3A_325] {strides = array<i32>} : memref<80x128xf32, #tpu.memory_space<vmem>>, vector<1x16xf32>,
            %get3A_327 = vector.shape_cast %get3A_326 : vector<1x16xf32> to vector<16xf32>
            %add3A_328 = arith.addf %get3A_323, %get3A_327 : vector<16xf32>
            %get3A_329 = arith.index_cast %add3A_190 : i32 to index
            %get3A_330 = arith.constant 80 : index
            %get3A_331 = tpu.vector_load %arg16[%get3A_329, %get3A_330] {strides = array<i32>} : memref<80x128xf32, #tpu.memory_space<vmem>>, vector<1x16xf32>,
            %get3A_332 = vector.shape_cast %get3A_331 : vector<1x16xf32> to vector<16xf32>
            %add3A_333 = arith.addf %add3A_328, %get3A_332 : vector<16xf32>
            %max3A_334 = arith.constant 0.000000e+00 : f32
            %max3A_335 = vector.broadcast %max3A_334 : f32 to vector<16xf32>
            %max3A_336 = arith.maximumf %add3A_333, %max3A_335 : vector<16xf32>
            %swap3A_337 = arith.index_cast %add3A_190 : i32 to index
            %swap3A_338 = arith.constant 80 : index
            %swap3A_339 = tpu.vector_load %arg16[%swap3A_337, %swap3A_338] {strides = array<i32>} : memref<80x128xf32, #tpu.memory_space<vmem>>, vector<1x16xf32>,
            %swap3A_340 = vector.shape_cast %swap3A_339 : vector<1x16xf32> to vector<16xf32>
            %swap3A_341 = vector.shape_cast %max3A_336 : vector<16xf32> to vector<1x16xf32>
            tpu.vector_store %arg16[%swap3A_337, %swap3A_338], %swap3A_341 {strides = array<i32>} : memref<80x128xf32, #tpu.memory_space<vmem>>, vector<1x16xf32>,
            %mul3A_342 = arith.mulf %max3A_336, %get3A_44 : vector<16xf32>
            %add3A_343 = arith.addf %add3A_317, %mul3A_342 : vector<16xf32>
            %mul3A_344 = arith.mulf %max3A_336, %get3A_68 : vector<16xf32>
            %add3A_345 = arith.addf %add3A_319, %mul3A_344 : vector<16xf32>
            %get3A_346 = arith.index_cast %add3A_190 : i32 to index
            %get3A_347 = arith.constant 96 : index
            %get3A_348 = tpu.vector_load %arg14[%get3A_346, %get3A_347] {strides = array<i32>} : memref<80x128xf32, #tpu.memory_space<vmem>>, vector<1x16xf32>,
            %get3A_349 = vector.shape_cast %get3A_348 : vector<1x16xf32> to vector<16xf32>
            %get3A_350 = arith.index_cast %add3A_190 : i32 to index
            %get3A_351 = arith.constant 96 : index
            %get3A_352 = tpu.vector_load %arg15[%get3A_350, %get3A_351] {strides = array<i32>} : memref<80x128xf32, #tpu.memory_space<vmem>>, vector<1x16xf32>,
            %get3A_353 = vector.shape_cast %get3A_352 : vector<1x16xf32> to vector<16xf32>
            %add3A_354 = arith.addf %get3A_349, %get3A_353 : vector<16xf32>
            %get3A_355 = arith.index_cast %add3A_190 : i32 to index
            %get3A_356 = arith.constant 96 : index
            %get3A_357 = tpu.vector_load %arg16[%get3A_355, %get3A_356] {strides = array<i32>} : memref<80x128xf32, #tpu.memory_space<vmem>>, vector<1x16xf32>,
            %get3A_358 = vector.shape_cast %get3A_357 : vector<1x16xf32> to vector<16xf32>
            %add3A_359 = arith.addf %add3A_354, %get3A_358 : vector<16xf32>
            %max3A_360 = arith.constant 0.000000e+00 : f32
            %max3A_361 = vector.broadcast %max3A_360 : f32 to vector<16xf32>
            %max3A_362 = arith.maximumf %add3A_359, %max3A_361 : vector<16xf32>
            %swap3A_363 = arith.index_cast %add3A_190 : i32 to index
            %swap3A_364 = arith.constant 96 : index
            %swap3A_365 = tpu.vector_load %arg16[%swap3A_363, %swap3A_364] {strides = array<i32>} : memref<80x128xf32, #tpu.memory_space<vmem>>, vector<1x16xf32>,
            %swap3A_366 = vector.shape_cast %swap3A_365 : vector<1x16xf32> to vector<16xf32>
            %swap3A_367 = vector.shape_cast %max3A_362 : vector<16xf32> to vector<1x16xf32>
            tpu.vector_store %arg16[%swap3A_363, %swap3A_364], %swap3A_367 {strides = array<i32>} : memref<80x128xf32, #tpu.memory_space<vmem>>, vector<1x16xf32>,
            %mul3A_368 = arith.mulf %max3A_362, %get3A_47 : vector<16xf32>
            %add3A_369 = arith.addf %add3A_343, %mul3A_368 : vector<16xf32>
            %mul3A_370 = arith.mulf %max3A_362, %get3A_71 : vector<16xf32>
            %add3A_371 = arith.addf %add3A_345, %mul3A_370 : vector<16xf32>
            %get3A_372 = arith.index_cast %add3A_190 : i32 to index
            %get3A_373 = arith.constant 112 : index
            %get3A_374 = tpu.vector_load %arg14[%get3A_372, %get3A_373] {strides = array<i32>} : memref<80x128xf32, #tpu.memory_space<vmem>>, vector<1x16xf32>,
            %get3A_375 = vector.shape_cast %get3A_374 : vector<1x16xf32> to vector<16xf32>
            %get3A_376 = arith.index_cast %add3A_190 : i32 to index
            %get3A_377 = arith.constant 112 : index
            %get3A_378 = tpu.vector_load %arg15[%get3A_376, %get3A_377] {strides = array<i32>} : memref<80x128xf32, #tpu.memory_space<vmem>>, vector<1x16xf32>,
            %get3A_379 = vector.shape_cast %get3A_378 : vector<1x16xf32> to vector<16xf32>
            %add3A_380 = arith.addf %get3A_375, %get3A_379 : vector<16xf32>
            %get3A_381 = arith.index_cast %add3A_190 : i32 to index
            %get3A_382 = arith.constant 112 : index
            %get3A_383 = tpu.vector_load %arg16[%get3A_381, %get3A_382] {strides = array<i32>} : memref<80x128xf32, #tpu.memory_space<vmem>>, vector<1x16xf32>,
            %get3A_384 = vector.shape_cast %get3A_383 : vector<1x16xf32> to vector<16xf32>
            %add3A_385 = arith.addf %add3A_380, %get3A_384 : vector<16xf32>
            %max3A_386 = arith.constant 0.000000e+00 : f32
            %max3A_387 = vector.broadcast %max3A_386 : f32 to vector<16xf32>
            %max3A_388 = arith.maximumf %add3A_385, %max3A_387 : vector<16xf32>
            %swap3A_389 = arith.index_cast %add3A_190 : i32 to index
            %swap3A_390 = arith.constant 112 : index
            %swap3A_391 = tpu.vector_load %arg16[%swap3A_389, %swap3A_390] {strides = array<i32>} : memref<80x128xf32, #tpu.memory_space<vmem>>, vector<1x16xf32>,
            %swap3A_392 = vector.shape_cast %swap3A_391 : vector<1x16xf32> to vector<16xf32>
            %swap3A_393 = vector.shape_cast %max3A_388 : vector<16xf32> to vector<1x16xf32>
            tpu.vector_store %arg16[%swap3A_389, %swap3A_390], %swap3A_393 {strides = array<i32>} : memref<80x128xf32, #tpu.memory_space<vmem>>, vector<1x16xf32>,
            %mul3A_394 = arith.mulf %max3A_388, %get3A_50 : vector<16xf32>
            %add3A_395 = arith.addf %add3A_369, %mul3A_394 : vector<16xf32>
            %mul3A_396 = arith.mulf %max3A_388, %get3A_74 : vector<16xf32>
            %add3A_397 = arith.addf %add3A_371, %mul3A_396 : vector<16xf32>
            %eq3A_398 = vector.broadcast %scan3A_185 : i32 to vector<16xi32>
            %eq3A_399 = arith.cmpi eq, %iota3A, %eq3A_398 : vector<16xi32>
            %iota3A_400 = tpu.iota {dimensions = array<i32: 0>} : vector<16xi32>
            %xor3A = arith.constant 8 : i32
            %xor3A_401 = vector.broadcast %xor3A : i32 to vector<16xi32>
            %xor3A_402 = arith.xori %iota3A_400, %xor3A_401 : vector<16xi32>
            %lt3A_403 = arith.constant 0 : i32
            %lt3A_404 = vector.broadcast %lt3A_403 : i32 to vector<16xi32>
            %lt3A_405 = arith.cmpi slt, %xor3A_402, %lt3A_404 : vector<16xi32>
            %add3A_406 = arith.constant 16 : i32
            %add3A_407 = vector.broadcast %add3A_406 : i32 to vector<16xi32>
            %add3A_408 = arith.addi %xor3A_402, %add3A_407 : vector<16xi32>
            %select_n3A_409 = arith.select %lt3A_405, %add3A_408, %xor3A_402 : vector<16xi1>, vector<16xi32>
            %broadcast_in_dim3A_410 = vector.shape_cast %select_n3A_409 : vector<16xi32> to vector<16x1xi32>
            %gather3A = vector.shape_cast %broadcast_in_dim3A_410 : vector<16x1xi32> to vector<16xi32>
            %gather3A_411 = tpu.dynamic_gather %add3A_395[%gather3A] in [0] : vector<16xf32>, vector<16xi32> -> vector<16xf32>
            %add3A_412 = arith.addf %add3A_395, %gather3A_411 : vector<16xf32>
            %xor3A_413 = arith.constant 4 : i32
            %xor3A_414 = vector.broadcast %xor3A_413 : i32 to vector<16xi32>
            %xor3A_415 = arith.xori %iota3A_400, %xor3A_414 : vector<16xi32>
            %lt3A_416 = arith.constant 0 : i32
            %lt3A_417 = vector.broadcast %lt3A_416 : i32 to vector<16xi32>
            %lt3A_418 = arith.cmpi slt, %xor3A_415, %lt3A_417 : vector<16xi32>
            %add3A_419 = arith.constant 16 : i32
            %add3A_420 = vector.broadcast %add3A_419 : i32 to vector<16xi32>
            %add3A_421 = arith.addi %xor3A_415, %add3A_420 : vector<16xi32>
            %select_n3A_422 = arith.select %lt3A_418, %add3A_421, %xor3A_415 : vector<16xi1>, vector<16xi32>
            %broadcast_in_dim3A_423 = vector.shape_cast %select_n3A_422 : vector<16xi32> to vector<16x1xi32>
            %gather3A_424 = vector.shape_cast %broadcast_in_dim3A_423 : vector<16x1xi32> to vector<16xi32>
            %gather3A_425 = tpu.dynamic_gather %add3A_412[%gather3A_424] in [0] : vector<16xf32>, vector<16xi32> -> vector<16xf32>
            %add3A_426 = arith.addf %add3A_412, %gather3A_425 : vector<16xf32>
            %xor3A_427 = arith.constant 2 : i32
            %xor3A_428 = vector.broadcast %xor3A_427 : i32 to vector<16xi32>
            %xor3A_429 = arith.xori %iota3A_400, %xor3A_428 : vector<16xi32>
            %lt3A_430 = arith.constant 0 : i32
            %lt3A_431 = vector.broadcast %lt3A_430 : i32 to vector<16xi32>
            %lt3A_432 = arith.cmpi slt, %xor3A_429, %lt3A_431 : vector<16xi32>
            %add3A_433 = arith.constant 16 : i32
            %add3A_434 = vector.broadcast %add3A_433 : i32 to vector<16xi32>
            %add3A_435 = arith.addi %xor3A_429, %add3A_434 : vector<16xi32>
            %select_n3A_436 = arith.select %lt3A_432, %add3A_435, %xor3A_429 : vector<16xi1>, vector<16xi32>
            %broadcast_in_dim3A_437 = vector.shape_cast %select_n3A_436 : vector<16xi32> to vector<16x1xi32>
            %gather3A_438 = vector.shape_cast %broadcast_in_dim3A_437 : vector<16x1xi32> to vector<16xi32>
            %gather3A_439 = tpu.dynamic_gather %add3A_426[%gather3A_438] in [0] : vector<16xf32>, vector<16xi32> -> vector<16xf32>
            %add3A_440 = arith.addf %add3A_426, %gather3A_439 : vector<16xf32>
            %xor3A_441 = arith.constant 1 : i32
            %xor3A_442 = vector.broadcast %xor3A_441 : i32 to vector<16xi32>
            %xor3A_443 = arith.xori %iota3A_400, %xor3A_442 : vector<16xi32>
            %lt3A_444 = arith.constant 0 : i32
            %lt3A_445 = vector.broadcast %lt3A_444 : i32 to vector<16xi32>
            %lt3A_446 = arith.cmpi slt, %xor3A_443, %lt3A_445 : vector<16xi32>
            %add3A_447 = arith.constant 16 : i32
            %add3A_448 = vector.broadcast %add3A_447 : i32 to vector<16xi32>
            %add3A_449 = arith.addi %xor3A_443, %add3A_448 : vector<16xi32>
            %select_n3A_450 = arith.select %lt3A_446, %add3A_449, %xor3A_443 : vector<16xi1>, vector<16xi32>
            %broadcast_in_dim3A_451 = vector.shape_cast %select_n3A_450 : vector<16xi32> to vector<16x1xi32>
            %gather3A_452 = vector.shape_cast %broadcast_in_dim3A_451 : vector<16x1xi32> to vector<16xi32>
            %gather3A_453 = tpu.dynamic_gather %add3A_440[%gather3A_452] in [0] : vector<16xf32>, vector<16xi32> -> vector<16xf32>
            %add3A_454 = arith.addf %add3A_440, %gather3A_453 : vector<16xf32>
            %select_n3A_455 = arith.select %eq3A_399, %add3A_454, %scan3A_186 : vector<16xi1>, vector<16xf32>
            %iota3A_456 = tpu.iota {dimensions = array<i32: 0>} : vector<16xi32>
            %xor3A_457 = arith.constant 8 : i32
            %xor3A_458 = vector.broadcast %xor3A_457 : i32 to vector<16xi32>
            %xor3A_459 = arith.xori %iota3A_456, %xor3A_458 : vector<16xi32>
            %lt3A_460 = arith.constant 0 : i32
            %lt3A_461 = vector.broadcast %lt3A_460 : i32 to vector<16xi32>
            %lt3A_462 = arith.cmpi slt, %xor3A_459, %lt3A_461 : vector<16xi32>
            %add3A_463 = arith.constant 16 : i32
            %add3A_464 = vector.broadcast %add3A_463 : i32 to vector<16xi32>
            %add3A_465 = arith.addi %xor3A_459, %add3A_464 : vector<16xi32>
            %select_n3A_466 = arith.select %lt3A_462, %add3A_465, %xor3A_459 : vector<16xi1>, vector<16xi32>
            %broadcast_in_dim3A_467 = vector.shape_cast %select_n3A_466 : vector<16xi32> to vector<16x1xi32>
            %gather3A_468 = vector.shape_cast %broadcast_in_dim3A_467 : vector<16x1xi32> to vector<16xi32>
            %gather3A_469 = tpu.dynamic_gather %add3A_397[%gather3A_468] in [0] : vector<16xf32>, vector<16xi32> -> vector<16xf32>
            %add3A_470 = arith.addf %add3A_397, %gather3A_469 : vector<16xf32>
            %xor3A_471 = arith.constant 4 : i32
            %xor3A_472 = vector.broadcast %xor3A_471 : i32 to vector<16xi32>
            %xor3A_473 = arith.xori %iota3A_456, %xor3A_472 : vector<16xi32>
            %lt3A_474 = arith.constant 0 : i32
            %lt3A_475 = vector.broadcast %lt3A_474 : i32 to vector<16xi32>
            %lt3A_476 = arith.cmpi slt, %xor3A_473, %lt3A_475 : vector<16xi32>
            %add3A_477 = arith.constant 16 : i32
            %add3A_478 = vector.broadcast %add3A_477 : i32 to vector<16xi32>
            %add3A_479 = arith.addi %xor3A_473, %add3A_478 : vector<16xi32>
            %select_n3A_480 = arith.select %lt3A_476, %add3A_479, %xor3A_473 : vector<16xi1>, vector<16xi32>
            %broadcast_in_dim3A_481 = vector.shape_cast %select_n3A_480 : vector<16xi32> to vector<16x1xi32>
            %gather3A_482 = vector.shape_cast %broadcast_in_dim3A_481 : vector<16x1xi32> to vector<16xi32>
            %gather3A_483 = tpu.dynamic_gather %add3A_470[%gather3A_482] in [0] : vector<16xf32>, vector<16xi32> -> vector<16xf32>
            %add3A_484 = arith.addf %add3A_470, %gather3A_483 : vector<16xf32>
            %xor3A_485 = arith.constant 2 : i32
            %xor3A_486 = vector.broadcast %xor3A_485 : i32 to vector<16xi32>
            %xor3A_487 = arith.xori %iota3A_456, %xor3A_486 : vector<16xi32>
            %lt3A_488 = arith.constant 0 : i32
            %lt3A_489 = vector.broadcast %lt3A_488 : i32 to vector<16xi32>
            %lt3A_490 = arith.cmpi slt, %xor3A_487, %lt3A_489 : vector<16xi32>
            %add3A_491 = arith.constant 16 : i32
            %add3A_492 = vector.broadcast %add3A_491 : i32 to vector<16xi32>
            %add3A_493 = arith.addi %xor3A_487, %add3A_492 : vector<16xi32>
            %select_n3A_494 = arith.select %lt3A_490, %add3A_493, %xor3A_487 : vector<16xi1>, vector<16xi32>
            %broadcast_in_dim3A_495 = vector.shape_cast %select_n3A_494 : vector<16xi32> to vector<16x1xi32>
            %gather3A_496 = vector.shape_cast %broadcast_in_dim3A_495 : vector<16x1xi32> to vector<16xi32>
            %gather3A_497 = tpu.dynamic_gather %add3A_484[%gather3A_496] in [0] : vector<16xf32>, vector<16xi32> -> vector<16xf32>
            %add3A_498 = arith.addf %add3A_484, %gather3A_497 : vector<16xf32>
            %xor3A_499 = arith.constant 1 : i32
            %xor3A_500 = vector.broadcast %xor3A_499 : i32 to vector<16xi32>
            %xor3A_501 = arith.xori %iota3A_456, %xor3A_500 : vector<16xi32>
            %lt3A_502 = arith.constant 0 : i32
            %lt3A_503 = vector.broadcast %lt3A_502 : i32 to vector<16xi32>
            %lt3A_504 = arith.cmpi slt, %xor3A_501, %lt3A_503 : vector<16xi32>
            %add3A_505 = arith.constant 16 : i32
            %add3A_506 = vector.broadcast %add3A_505 : i32 to vector<16xi32>
            %add3A_507 = arith.addi %xor3A_501, %add3A_506 : vector<16xi32>
            %select_n3A_508 = arith.select %lt3A_504, %add3A_507, %xor3A_501 : vector<16xi1>, vector<16xi32>
            %broadcast_in_dim3A_509 = vector.shape_cast %select_n3A_508 : vector<16xi32> to vector<16x1xi32>
            %gather3A_510 = vector.shape_cast %broadcast_in_dim3A_509 : vector<16x1xi32> to vector<16xi32>
            %gather3A_511 = tpu.dynamic_gather %add3A_498[%gather3A_510] in [0] : vector<16xf32>, vector<16xi32> -> vector<16xf32>
            %add3A_512 = arith.addf %add3A_498, %gather3A_511 : vector<16xf32>
            %select_n3A_513 = arith.select %eq3A_399, %add3A_512, %scan3A_187 : vector<16xi1>, vector<16xf32>
            scf.yield %select_n3A_455, %select_n3A_513 : vector<16xf32>, vector<16xf32>
          }
          %scan3A_164 = arith.constant 16 : i32
          %mul3A_165 = arith.constant 2 : i32
          %mul3A_166 = arith.muli %mul3A_165, %sub3A_102 : i32
          %mul3A_167 = arith.constant 16 : i32
          %mul3A_168 = arith.muli %scan3A_157, %mul3A_167 : i32
          %swap3A = arith.index_cast %mul3A_166 : i32 to index
          %swap3A_169 = arith.index_cast %mul3A_168 : i32 to index
          %swap3A_170 = tpu.vector_load %arg17[%swap3A, %swap3A_169] {strides = array<i32>} : memref<50x80xf32, #tpu.memory_space<vmem>>, vector<1x16xf32>,
          %swap3A_171 = vector.shape_cast %swap3A_170 : vector<1x16xf32> to vector<16xf32>
          %swap3A_172 = vector.shape_cast %scan3A_163#0 : vector<16xf32> to vector<1x16xf32>
          tpu.vector_store %arg17[%swap3A, %swap3A_169], %swap3A_172 {strides = array<i32>} : memref<50x80xf32, #tpu.memory_space<vmem>>, vector<1x16xf32>,
          %mul3A_173 = arith.constant 2 : i32
          %mul3A_174 = arith.muli %mul3A_173, %sub3A_102 : i32
          %add3A_175 = arith.constant 1 : i32
          %add3A_176 = arith.addi %mul3A_174, %add3A_175 : i32
          %mul3A_177 = arith.constant 16 : i32
          %mul3A_178 = arith.muli %scan3A_157, %mul3A_177 : i32
          %swap3A_179 = arith.index_cast %add3A_176 : i32 to index
          %swap3A_180 = arith.index_cast %mul3A_178 : i32 to index
          %swap3A_181 = tpu.vector_load %arg17[%swap3A_179, %swap3A_180] {strides = array<i32>} : memref<50x80xf32, #tpu.memory_space<vmem>>, vector<1x16xf32>,
          %swap3A_182 = vector.shape_cast %swap3A_181 : vector<1x16xf32> to vector<16xf32>
          %swap3A_183 = vector.shape_cast %scan3A_163#1 : vector<16xf32> to vector<1x16xf32>
          tpu.vector_store %arg17[%swap3A_179, %swap3A_180], %swap3A_183 {strides = array<i32>} : memref<50x80xf32, #tpu.memory_space<vmem>>, vector<1x16xf32>,
          %scan3A_184 = arith.constant 0 : i32
          scf.yield %scan3A_184 : i32
        }
        %scan3A_146 = arith.constant 5 : i32
        %mul3A_147 = arith.constant 2 : i32
        %mul3A_148 = arith.muli %mul3A_147, %sub3A_102 : i32
        %add3A_149 = arith.constant 1 : i32
        %add3A_150 = arith.addi %mul3A_148, %add3A_149 : i32
        "tpu.region"() ({
          %run_scoped3A_157 = tpu.sem_alloc : memref<!tpu.dma_semaphore, #tpu.memory_space<semaphore_mem>>
          %dma_start3A_158 = arith.constant 0 : i32
          %dma_start3A_159 = tpu.memref_slice %arg13[%add3A_150, %dma_start3A_158] : memref<50x80xi32, #tpu.memory_space<vmem>> -> memref<1x80xi32, #tpu.memory_space<vmem>>
          %dma_start3A_160 = tpu.memref_squeeze %dma_start3A_159 : memref<1x80xi32, #tpu.memory_space<vmem>> -> memref<80xi32, #tpu.memory_space<vmem>>
          %dma_start3A_161 = arith.constant 0 : i32
          %dma_start3A_162 = arith.constant 0 : i32
          %dma_start3A_163 = tpu.memref_slice %arg20[%dma_start3A_161, %dma_start3A_162] : memref<10000x128xf32, #tpu.memory_space<vmem_shared>> -> memref<10000x128xf32, #tpu.memory_space<vmem_shared>>
          tpu.enqueue_indirect_dma source(%arg16 : memref<80x128xf32, #tpu.memory_space<vmem>>) target(%dma_start3A_163 : memref<10000x128xf32, #tpu.memory_space<vmem_shared>>) offsets(%dma_start3A_160 : memref<80xi32, #tpu.memory_space<vmem>>) semaphore(%run_scoped3A_157 : memref<!tpu.dma_semaphore, #tpu.memory_space<semaphore_mem>>) {add = true}
          %dma_wait3A_164 = arith.constant 0 : i32
          %dma_wait3A_165 = tpu.memref_slice %arg13[%add3A_150, %dma_wait3A_164] : memref<50x80xi32, #tpu.memory_space<vmem>> -> memref<1x80xi32, #tpu.memory_space<vmem>>
          %dma_wait3A_166 = tpu.memref_squeeze %dma_wait3A_165 : memref<1x80xi32, #tpu.memory_space<vmem>> -> memref<80xi32, #tpu.memory_space<vmem>>
          %dma_wait3A_167 = arith.constant 0 : i32
          %dma_wait3A_168 = arith.constant 0 : i32
          %dma_wait3A_169 = tpu.memref_slice %arg20[%dma_wait3A_167, %dma_wait3A_168] : memref<10000x128xf32, #tpu.memory_space<vmem_shared>> -> memref<10000x128xf32, #tpu.memory_space<vmem_shared>>
          tpu.wait_indirect_dma semaphore(%run_scoped3A_157 : memref<!tpu.dma_semaphore, #tpu.memory_space<semaphore_mem>>) src(%arg16 : memref<80x128xf32, #tpu.memory_space<vmem>>) dst(%dma_wait3A_169 : memref<10000x128xf32, #tpu.memory_space<vmem_shared>>)
          tpu.yield
        }) : () -> ()
        %eq3A_151 = arith.constant 24 : i32
        %eq3A_152 = arith.cmpi eq, %sub3A_102, %eq3A_151 : i32
        %convert_element_type3A_153 = arith.extui %eq3A_152 : i1 to i32
        %cond3A_154 = arith.constant 0 : i32
        %cond3A_155 = arith.cmpi ne, %convert_element_type3A_153, %cond3A_154 : i32
        scf.if %cond3A_155 {
          %run_scoped3A_157 = arith.constant 1 : i32
          "tpu.region"() ({
            %run_scoped3A_158 = tpu.sem_alloc : memref<!tpu.dma_semaphore, #tpu.memory_space<semaphore_mem>>
            %dma_start3A_159 = arith.constant 0 : i32
            %dma_start3A_160 = arith.constant 0 : i32
            %dma_start3A_161 = tpu.memref_slice %arg12[%run_scoped3A_157, %arg1, %select_n3A, %dma_start3A_159, %dma_start3A_160] : memref<2x16x5x50x80xf32, #tpu.memory_space<hbm>> -> memref<1x1x1x50x80xf32, #tpu.memory_space<hbm>>
            %dma_start3A_162 = tpu.memref_squeeze %dma_start3A_161 : memref<1x1x1x50x80xf32, #tpu.memory_space<hbm>> -> memref<50x80xf32, #tpu.memory_space<hbm>>
            %dma_start3A_163 = arith.constant 0 : i32
            %dma_start3A_164 = arith.constant 0 : i32
            %dma_start3A_165 = tpu.memref_slice %arg12[%run_scoped3A_157, %arg1, %select_n3A, %dma_start3A_163, %dma_start3A_164] : memref<2x16x5x50x80xf32, #tpu.memory_space<hbm>> -> memref<1x1x1x50x80xf32, #tpu.memory_space<hbm>>
            %dma_start3A_166 = tpu.memref_squeeze %dma_start3A_165 : memref<1x1x1x50x80xf32, #tpu.memory_space<hbm>> -> memref<50x80xf32, #tpu.memory_space<hbm>>
            tpu.enqueue_dma source(%arg17 : memref<50x80xf32, #tpu.memory_space<vmem>>) target(%dma_start3A_166 : memref<50x80xf32, #tpu.memory_space<hbm>>) target_semaphore(%run_scoped3A_158 : memref<!tpu.dma_semaphore, #tpu.memory_space<semaphore_mem>>)
            %dma_wait3A_167 = arith.constant 0 : i32
            %dma_wait3A_168 = arith.constant 0 : i32
            %dma_wait3A_169 = tpu.memref_slice %arg12[%run_scoped3A_157, %arg1, %select_n3A, %dma_wait3A_167, %dma_wait3A_168] : memref<2x16x5x50x80xf32, #tpu.memory_space<hbm>> -> memref<1x1x1x50x80xf32, #tpu.memory_space<hbm>>
            %dma_wait3A_170 = tpu.memref_squeeze %dma_wait3A_169 : memref<1x1x1x50x80xf32, #tpu.memory_space<hbm>> -> memref<50x80xf32, #tpu.memory_space<hbm>>
            %dma_wait3A_171 = arith.constant 0 : i32
            %dma_wait3A_172 = arith.constant 0 : i32
            %dma_wait3A_173 = tpu.memref_slice %arg12[%run_scoped3A_157, %arg1, %select_n3A, %dma_wait3A_171, %dma_wait3A_172] : memref<2x16x5x50x80xf32, #tpu.memory_space<hbm>> -> memref<1x1x1x50x80xf32, #tpu.memory_space<hbm>>
            %dma_wait3A_174 = tpu.memref_squeeze %dma_wait3A_173 : memref<1x1x1x50x80xf32, #tpu.memory_space<hbm>> -> memref<50x80xf32, #tpu.memory_space<hbm>>
            tpu.wait_dma2 semaphore(%run_scoped3A_158 : memref<!tpu.dma_semaphore, #tpu.memory_space<semaphore_mem>>) src(%arg17 : memref<50x80xf32, #tpu.memory_space<vmem>>) dst(%dma_wait3A_174 : memref<50x80xf32, #tpu.memory_space<hbm>>)
            tpu.yield
          }) : () -> ()
        } else {
        }
        %scan3A_156 = arith.constant 0 : i32
        scf.yield %scan3A_156 : i32
      }
      %scan3A_81 = arith.constant 125 : i32
    } else {
    }
    %barrier3A_11 = arith.constant 0 : index
    tpu.barrier barrier_id(%barrier3A_11)
    %eq3A_12 = arith.constant 0 : i32
    %eq3A_13 = arith.cmpi eq, %arg0, %eq3A_12 : i32
    %lt3A_14 = arith.constant 10 : i32
    %lt3A_15 = arith.cmpi slt, %arg1, %lt3A_14 : i32
    %and3A = arith.andi %eq3A_13, %lt3A_15 : i1
    %convert_element_type3A_16 = arith.extui %and3A : i1 to i32
    %cond3A_17 = arith.constant 0 : i32
    %cond3A_18 = arith.cmpi ne, %convert_element_type3A_16, %cond3A_17 : i32
    scf.if %cond3A_18 {
      %mul3A = arith.constant 1000 : i32
      %mul3A_27 = arith.muli %arg1, %mul3A : i32
      %mul3A_28 = arith.constant 1000 : i32
      %mul3A_29 = arith.muli %arg1, %mul3A_28 : i32
      %run_scoped3A = arith.constant 0 : i32
      "tpu.region"() ({
        %run_scoped3A_30 = tpu.sem_alloc : memref<!tpu.dma_semaphore, #tpu.memory_space<semaphore_mem>>
        %dma_start3A = arith.constant 0 : i32
        %dma_start3A_31 = tpu.memref_slice %arg11[%run_scoped3A, %mul3A_29, %dma_start3A] : memref<2x10000x128xf32, #tpu.memory_space<hbm>> -> memref<1x1000x128xf32, #tpu.memory_space<hbm>>
        %dma_start3A_32 = tpu.memref_squeeze %dma_start3A_31 : memref<1x1000x128xf32, #tpu.memory_space<hbm>> -> memref<1000x128xf32, #tpu.memory_space<hbm>>
        %dma_start3A_33 = arith.constant 0 : i32
        %dma_start3A_34 = tpu.memref_slice %arg20[%mul3A_27, %dma_start3A_33] : memref<10000x128xf32, #tpu.memory_space<vmem_shared>> -> memref<1000x128xf32, #tpu.memory_space<vmem_shared>>
        tpu.enqueue_dma source(%dma_start3A_34 : memref<1000x128xf32, #tpu.memory_space<vmem_shared>>) target(%dma_start3A_32 : memref<1000x128xf32, #tpu.memory_space<hbm>>) target_semaphore(%run_scoped3A_30 : memref<!tpu.dma_semaphore, #tpu.memory_space<semaphore_mem>>)
        %dma_wait3A = arith.constant 0 : i32
        %dma_wait3A_35 = tpu.memref_slice %arg11[%run_scoped3A, %mul3A_29, %dma_wait3A] : memref<2x10000x128xf32, #tpu.memory_space<hbm>> -> memref<1x1000x128xf32, #tpu.memory_space<hbm>>
        %dma_wait3A_36 = tpu.memref_squeeze %dma_wait3A_35 : memref<1x1000x128xf32, #tpu.memory_space<hbm>> -> memref<1000x128xf32, #tpu.memory_space<hbm>>
        %dma_wait3A_37 = arith.constant 0 : i32
        %dma_wait3A_38 = tpu.memref_slice %arg20[%mul3A_27, %dma_wait3A_37] : memref<10000x128xf32, #tpu.memory_space<vmem_shared>> -> memref<1000x128xf32, #tpu.memory_space<vmem_shared>>
        tpu.wait_dma2 semaphore(%run_scoped3A_30 : memref<!tpu.dma_semaphore, #tpu.memory_space<semaphore_mem>>) src(%dma_wait3A_38 : memref<1000x128xf32, #tpu.memory_space<vmem_shared>>) dst(%dma_wait3A_36 : memref<1000x128xf32, #tpu.memory_space<hbm>>)
        tpu.yield
      }) : () -> ()
    } else {
    }
    %eq3A_19 = arith.constant 1 : i32
    %eq3A_20 = arith.cmpi eq, %arg0, %eq3A_19 : i32
    %lt3A_21 = arith.constant 10 : i32
    %lt3A_22 = arith.cmpi slt, %arg1, %lt3A_21 : i32
    %and3A_23 = arith.andi %eq3A_20, %lt3A_22 : i1
    %convert_element_type3A_24 = arith.extui %and3A_23 : i1 to i32
    %cond3A_25 = arith.constant 0 : i32
    %cond3A_26 = arith.cmpi ne, %convert_element_type3A_24, %cond3A_25 : i32
    scf.if %cond3A_26 {
      %mul3A = arith.constant 1000 : i32
      %mul3A_27 = arith.muli %arg1, %mul3A : i32
      %mul3A_28 = arith.constant 1000 : i32
      %mul3A_29 = arith.muli %arg1, %mul3A_28 : i32
      %run_scoped3A = arith.constant 1 : i32
      "tpu.region"() ({
        %run_scoped3A_30 = tpu.sem_alloc : memref<!tpu.dma_semaphore, #tpu.memory_space<semaphore_mem>>
        %dma_start3A = arith.constant 0 : i32
        %dma_start3A_31 = tpu.memref_slice %arg11[%run_scoped3A, %mul3A_29, %dma_start3A] : memref<2x10000x128xf32, #tpu.memory_space<hbm>> -> memref<1x1000x128xf32, #tpu.memory_space<hbm>>
        %dma_start3A_32 = tpu.memref_squeeze %dma_start3A_31 : memref<1x1000x128xf32, #tpu.memory_space<hbm>> -> memref<1000x128xf32, #tpu.memory_space<hbm>>
        %dma_start3A_33 = arith.constant 0 : i32
        %dma_start3A_34 = tpu.memref_slice %arg20[%mul3A_27, %dma_start3A_33] : memref<10000x128xf32, #tpu.memory_space<vmem_shared>> -> memref<1000x128xf32, #tpu.memory_space<vmem_shared>>
        tpu.enqueue_dma source(%dma_start3A_34 : memref<1000x128xf32, #tpu.memory_space<vmem_shared>>) target(%dma_start3A_32 : memref<1000x128xf32, #tpu.memory_space<hbm>>) target_semaphore(%run_scoped3A_30 : memref<!tpu.dma_semaphore, #tpu.memory_space<semaphore_mem>>)
        %dma_wait3A = arith.constant 0 : i32
        %dma_wait3A_35 = tpu.memref_slice %arg11[%run_scoped3A, %mul3A_29, %dma_wait3A] : memref<2x10000x128xf32, #tpu.memory_space<hbm>> -> memref<1x1000x128xf32, #tpu.memory_space<hbm>>
        %dma_wait3A_36 = tpu.memref_squeeze %dma_wait3A_35 : memref<1x1000x128xf32, #tpu.memory_space<hbm>> -> memref<1000x128xf32, #tpu.memory_space<hbm>>
        %dma_wait3A_37 = arith.constant 0 : i32
        %dma_wait3A_38 = tpu.memref_slice %arg20[%mul3A_27, %dma_wait3A_37] : memref<10000x128xf32, #tpu.memory_space<vmem_shared>> -> memref<1000x128xf32, #tpu.memory_space<vmem_shared>>
        tpu.wait_dma2 semaphore(%run_scoped3A_30 : memref<!tpu.dma_semaphore, #tpu.memory_space<semaphore_mem>>) src(%dma_wait3A_38 : memref<1000x128xf32, #tpu.memory_space<vmem_shared>>) dst(%dma_wait3A_36 : memref<1000x128xf32, #tpu.memory_space<hbm>>)
        tpu.yield
      }) : () -> ()
    } else {
    }
    return
  }
}

module attributes {stable_mosaic.version = 14 : i64} {
  func.func @_pre_body(%arg0: i32, %arg1: memref<1000x256xf32, #tpu.memory_space<vmem>>, %arg2: memref<256x256xf32, #tpu.memory_space<vmem>>, %arg3: memref<256x256xf32, #tpu.memory_space<vmem>>, %arg4: memref<1000x128xf32, #tpu.memory_space<vmem>>, %arg5: memref<1000x128xf32, #tpu.memory_space<vmem>>, %arg6: memref<1000x128xf32, #tpu.memory_space<vmem>>, %arg7: memref<1000x128xf32, #tpu.memory_space<vmem>>) attributes {dimension_semantics = [#tpu.dimension_semantics<arbitrary>], iteration_bounds = array<i64: 10>, scalar_prefetch = 0 : i64, scratch_operands = 0 : i64, tpu.core_type = #tpu.core_type<tc>, window_params = [{transform_indices = @transform_0, window_bounds = array<i64: 1000, 256>}, {pipeline_mode = #tpu.pipeline_mode<synchronous>, transform_indices = @transform_1, window_bounds = array<i64: 256, 256>}, {pipeline_mode = #tpu.pipeline_mode<synchronous>, transform_indices = @transform_2, window_bounds = array<i64: 256, 256>}, {transform_indices = @transform_3, window_bounds = array<i64: 1000, 128>}, {transform_indices = @transform_4, window_bounds = array<i64: 1000, 128>}, {transform_indices = @transform_5, window_bounds = array<i64: 1000, 128>}, {transform_indices = @transform_6, window_bounds = array<i64: 1000, 128>}]} {
    %get3A = arith.constant 0 : index
    %get3A_0 = arith.constant 0 : index
    %get3A_1 = vector.load %arg1[%get3A, %get3A_0] : memref<1000x256xf32, #tpu.memory_space<vmem>>, vector<1000x256xf32>
    %get3A_2 = arith.constant 0 : index
    %get3A_3 = arith.constant 0 : index
    %get3A_4 = vector.load %arg2[%get3A_2, %get3A_3] : memref<256x256xf32, #tpu.memory_space<vmem>>, vector<256x256xf32>
    %dot_general3A = arith.constant dense<0.000000e+00> : vector<1000x256xf32>
    %dot_general3A_5 = tpu.matmul %get3A_1, %get3A_4, %dot_general3A {dimension_numbers = #tpu.dot_dimension_numbers<[1], [0], [0], [1], [0, 0, 1, 1], [], []>, transpose_lhs_hint = false} : vector<1000x256xf32>, vector<256x256xf32>, vector<1000x256xf32> -> vector<1000x256xf32>
    %get3A_6 = arith.constant 0 : index
    %get3A_7 = arith.constant 0 : index
    %get3A_8 = vector.load %arg3[%get3A_6, %get3A_7] : memref<256x256xf32, #tpu.memory_space<vmem>>, vector<256x256xf32>
    %dot_general3A_9 = arith.constant dense<0.000000e+00> : vector<1000x256xf32>
    %dot_general3A_10 = tpu.matmul %get3A_1, %get3A_8, %dot_general3A_9 {dimension_numbers = #tpu.dot_dimension_numbers<[1], [0], [0], [1], [0, 0, 1, 1], [], []>, transpose_lhs_hint = false} : vector<1000x256xf32>, vector<256x256xf32>, vector<1000x256xf32> -> vector<1000x256xf32>
    %slice3A = vector.extract_strided_slice %dot_general3A_5 {offsets = [0, 0], sizes = [1000, 128], strides = [1, 1]} : vector<1000x256xf32> to vector<1000x128xf32>
    %swap3A = arith.constant 0 : index
    %swap3A_11 = arith.constant 0 : index
    %swap3A_12 = vector.load %arg4[%swap3A, %swap3A_11] : memref<1000x128xf32, #tpu.memory_space<vmem>>, vector<1000x128xf32>
    tpu.vector_store %arg4[%swap3A, %swap3A_11], %slice3A {strides = array<i32>} : memref<1000x128xf32, #tpu.memory_space<vmem>>, vector<1000x128xf32>,
    %slice3A_13 = vector.extract_strided_slice %dot_general3A_5 {offsets = [0, 128], sizes = [1000, 128], strides = [1, 1]} : vector<1000x256xf32> to vector<1000x128xf32>
    %swap3A_14 = arith.constant 0 : index
    %swap3A_15 = arith.constant 0 : index
    %swap3A_16 = vector.load %arg5[%swap3A_14, %swap3A_15] : memref<1000x128xf32, #tpu.memory_space<vmem>>, vector<1000x128xf32>
    tpu.vector_store %arg5[%swap3A_14, %swap3A_15], %slice3A_13 {strides = array<i32>} : memref<1000x128xf32, #tpu.memory_space<vmem>>, vector<1000x128xf32>,
    %slice3A_17 = vector.extract_strided_slice %dot_general3A_10 {offsets = [0, 0], sizes = [1000, 128], strides = [1, 1]} : vector<1000x256xf32> to vector<1000x128xf32>
    %swap3A_18 = arith.constant 0 : index
    %swap3A_19 = arith.constant 0 : index
    %swap3A_20 = vector.load %arg6[%swap3A_18, %swap3A_19] : memref<1000x128xf32, #tpu.memory_space<vmem>>, vector<1000x128xf32>
    tpu.vector_store %arg6[%swap3A_18, %swap3A_19], %slice3A_17 {strides = array<i32>} : memref<1000x128xf32, #tpu.memory_space<vmem>>, vector<1000x128xf32>,
    %slice3A_21 = vector.extract_strided_slice %dot_general3A_10 {offsets = [0, 128], sizes = [1000, 128], strides = [1, 1]} : vector<1000x256xf32> to vector<1000x128xf32>
    %swap3A_22 = arith.constant 0 : index
    %swap3A_23 = arith.constant 0 : index
    %swap3A_24 = vector.load %arg7[%swap3A_22, %swap3A_23] : memref<1000x128xf32, #tpu.memory_space<vmem>>, vector<1000x128xf32>
    tpu.vector_store %arg7[%swap3A_22, %swap3A_23], %slice3A_21 {strides = array<i32>} : memref<1000x128xf32, #tpu.memory_space<vmem>>, vector<1000x128xf32>,
    return
  }
  func.func @transform_0(%arg0: i32) -> (i32, i32) {
    %c0_i32 = arith.constant 0 : i32
    %c0_i32_0 = arith.constant 0 : i32
    return %arg0, %c0_i32 : i32, i32
  }
  func.func @transform_1(%arg0: i32) -> (i32, i32) {
    %c0_i32 = arith.constant 0 : i32
    %c0_i32_0 = arith.constant 0 : i32
    %c0_i32_1 = arith.constant 0 : i32
    return %c0_i32, %c0_i32_0 : i32, i32
  }
  func.func @transform_2(%arg0: i32) -> (i32, i32) {
    %c0_i32 = arith.constant 0 : i32
    %c0_i32_0 = arith.constant 0 : i32
    %c0_i32_1 = arith.constant 0 : i32
    return %c0_i32, %c0_i32_0 : i32, i32
  }
  func.func @transform_3(%arg0: i32) -> (i32, i32) {
    %c0_i32 = arith.constant 0 : i32
    %c0_i32_0 = arith.constant 0 : i32
    return %arg0, %c0_i32 : i32, i32
  }
  func.func @transform_4(%arg0: i32) -> (i32, i32) {
    %c0_i32 = arith.constant 0 : i32
    %c0_i32_0 = arith.constant 0 : i32
    return %arg0, %c0_i32 : i32, i32
  }
  func.func @transform_5(%arg0: i32) -> (i32, i32) {
    %c0_i32 = arith.constant 0 : i32
    %c0_i32_0 = arith.constant 0 : i32
    return %arg0, %c0_i32 : i32, i32
  }
  func.func @transform_6(%arg0: i32) -> (i32, i32) {
    %c0_i32 = arith.constant 0 : i32
    %c0_i32_0 = arith.constant 0 : i32
    return %arg0, %c0_i32 : i32, i32
  }
}

module attributes {stable_mosaic.version = 14 : i64} {
  func.func @_ea_body(%arg0: i32, %arg1: memref<2000x16xf32, #tpu.memory_space<vmem>>, %arg2: memref<16x256xf32, #tpu.memory_space<vmem>>, %arg3: memref<1x256xf32, #tpu.memory_space<vmem>>, %arg4: memref<2000x128xf32, #tpu.memory_space<vmem>>, %arg5: memref<2000x128xf32, #tpu.memory_space<vmem>>) attributes {dimension_semantics = [#tpu.dimension_semantics<arbitrary>], iteration_bounds = array<i64: 80>, scalar_prefetch = 0 : i64, scratch_operands = 0 : i64, tpu.core_type = #tpu.core_type<tc>, window_params = [{transform_indices = @transform_0, window_bounds = array<i64: 2000, 16>}, {pipeline_mode = #tpu.pipeline_mode<synchronous>, transform_indices = @transform_1, window_bounds = array<i64: 16, 256>}, {pipeline_mode = #tpu.pipeline_mode<synchronous>, transform_indices = @transform_2, window_bounds = array<i64: 1, 256>}, {transform_indices = @transform_3, window_bounds = array<i64: 2000, 128>}, {transform_indices = @transform_4, window_bounds = array<i64: 2000, 128>}]} {
    %get3A = arith.constant 0 : index
    %get3A_0 = arith.constant 0 : index
    %get3A_1 = vector.load %arg1[%get3A, %get3A_0] : memref<2000x16xf32, #tpu.memory_space<vmem>>, vector<2000x16xf32>
    %get3A_2 = arith.constant 0 : index
    %get3A_3 = arith.constant 0 : index
    %get3A_4 = vector.load %arg2[%get3A_2, %get3A_3] : memref<16x256xf32, #tpu.memory_space<vmem>>, vector<16x256xf32>
    %dot_general3A = arith.constant dense<0.000000e+00> : vector<2000x256xf32>
    %dot_general3A_5 = tpu.matmul %get3A_1, %get3A_4, %dot_general3A {dimension_numbers = #tpu.dot_dimension_numbers<[1], [0], [0], [1], [0, 0, 1, 1], [], []>, transpose_lhs_hint = false} : vector<2000x16xf32>, vector<16x256xf32>, vector<2000x256xf32> -> vector<2000x256xf32>
    %get3A_6 = arith.constant 0 : index
    %get3A_7 = arith.constant 0 : index
    %get3A_8 = vector.load %arg3[%get3A_6, %get3A_7] : memref<1x256xf32, #tpu.memory_space<vmem>>, vector<1x256xf32>
    %add3A = vector.broadcast %get3A_8 : vector<1x256xf32> to vector<2000x256xf32>
    %add3A_9 = arith.addf %dot_general3A_5, %add3A : vector<2000x256xf32>
    %slice3A = vector.extract_strided_slice %add3A_9 {offsets = [0, 0], sizes = [2000, 128], strides = [1, 1]} : vector<2000x256xf32> to vector<2000x128xf32>
    %swap3A = arith.constant 0 : index
    %swap3A_10 = arith.constant 0 : index
    %swap3A_11 = vector.load %arg4[%swap3A, %swap3A_10] : memref<2000x128xf32, #tpu.memory_space<vmem>>, vector<2000x128xf32>
    tpu.vector_store %arg4[%swap3A, %swap3A_10], %slice3A {strides = array<i32>} : memref<2000x128xf32, #tpu.memory_space<vmem>>, vector<2000x128xf32>,
    %slice3A_12 = vector.extract_strided_slice %add3A_9 {offsets = [0, 128], sizes = [2000, 128], strides = [1, 1]} : vector<2000x256xf32> to vector<2000x128xf32>
    %swap3A_13 = arith.constant 0 : index
    %swap3A_14 = arith.constant 0 : index
    %swap3A_15 = vector.load %arg5[%swap3A_13, %swap3A_14] : memref<2000x128xf32, #tpu.memory_space<vmem>>, vector<2000x128xf32>
    tpu.vector_store %arg5[%swap3A_13, %swap3A_14], %slice3A_12 {strides = array<i32>} : memref<2000x128xf32, #tpu.memory_space<vmem>>, vector<2000x128xf32>,
    return
  }
  func.func @transform_0(%arg0: i32) -> (i32, i32) {
    %c0_i32 = arith.constant 0 : i32
    %c0_i32_0 = arith.constant 0 : i32
    return %arg0, %c0_i32 : i32, i32
  }
  func.func @transform_1(%arg0: i32) -> (i32, i32) {
    %c0_i32 = arith.constant 0 : i32
    %c0_i32_0 = arith.constant 0 : i32
    %c0_i32_1 = arith.constant 0 : i32
    return %c0_i32, %c0_i32_0 : i32, i32
  }
  func.func @transform_2(%arg0: i32) -> (i32, i32) {
    %c0_i32 = arith.constant 0 : i32
    %c0_i32_0 = arith.constant 0 : i32
    %c0_i32_1 = arith.constant 0 : i32
    return %c0_i32, %c0_i32_0 : i32, i32
  }
  func.func @transform_3(%arg0: i32) -> (i32, i32) {
    %c0_i32 = arith.constant 0 : i32
    %c0_i32_0 = arith.constant 0 : i32
    return %arg0, %c0_i32 : i32, i32
  }
  func.func @transform_4(%arg0: i32) -> (i32, i32) {
    %c0_i32 = arith.constant 0 : i32
    %c0_i32_0 = arith.constant 0 : i32
    return %arg0, %c0_i32 : i32, i32
  }
}

module attributes {stable_mosaic.version = 14 : i64} {
  func.func @_post_body(%arg0: i32, %arg1: memref<1000x256xf32, #tpu.memory_space<vmem>>, %arg2: memref<1000x128xf32, #tpu.memory_space<vmem>>, %arg3: memref<1000x128xf32, #tpu.memory_space<vmem>>, %arg4: memref<256x256xf32, #tpu.memory_space<vmem>>, %arg5: memref<128x256xf32, #tpu.memory_space<vmem>>, %arg6: memref<128x256xf32, #tpu.memory_space<vmem>>, %arg7: memref<1x256xf32, #tpu.memory_space<vmem>>, %arg8: memref<256x128xf32, #tpu.memory_space<vmem>>, %arg9: memref<1x128xf32, #tpu.memory_space<vmem>>, %arg10: memref<1000x128xf32, #tpu.memory_space<vmem>>) attributes {dimension_semantics = [#tpu.dimension_semantics<arbitrary>], iteration_bounds = array<i64: 10>, scalar_prefetch = 0 : i64, scratch_operands = 0 : i64, tpu.core_type = #tpu.core_type<tc>, window_params = [{transform_indices = @transform_0, window_bounds = array<i64: 1000, 256>}, {transform_indices = @transform_1, window_bounds = array<i64: 1000, 128>}, {transform_indices = @transform_2, window_bounds = array<i64: 1000, 128>}, {pipeline_mode = #tpu.pipeline_mode<synchronous>, transform_indices = @transform_3, window_bounds = array<i64: 256, 256>}, {pipeline_mode = #tpu.pipeline_mode<synchronous>, transform_indices = @transform_4, window_bounds = array<i64: 128, 256>}, {pipeline_mode = #tpu.pipeline_mode<synchronous>, transform_indices = @transform_5, window_bounds = array<i64: 128, 256>}, {pipeline_mode = #tpu.pipeline_mode<synchronous>, transform_indices = @transform_6, window_bounds = array<i64: 1, 256>}, {pipeline_mode = #tpu.pipeline_mode<synchronous>, transform_indices = @transform_7, window_bounds = array<i64: 256, 128>}, {pipeline_mode = #tpu.pipeline_mode<synchronous>, transform_indices = @transform_8, window_bounds = array<i64: 1, 128>}, {transform_indices = @transform_9, window_bounds = array<i64: 1000, 128>}]} {
    %get3A = arith.constant 0 : index
    %get3A_0 = arith.constant 0 : index
    %get3A_1 = vector.load %arg1[%get3A, %get3A_0] : memref<1000x256xf32, #tpu.memory_space<vmem>>, vector<1000x256xf32>
    %get3A_2 = arith.constant 0 : index
    %get3A_3 = arith.constant 0 : index
    %get3A_4 = vector.load %arg4[%get3A_2, %get3A_3] : memref<256x256xf32, #tpu.memory_space<vmem>>, vector<256x256xf32>
    %dot_general3A = arith.constant dense<0.000000e+00> : vector<1000x256xf32>
    %dot_general3A_5 = tpu.matmul %get3A_1, %get3A_4, %dot_general3A {dimension_numbers = #tpu.dot_dimension_numbers<[1], [0], [0], [1], [0, 0, 1, 1], [], []>, transpose_lhs_hint = false} : vector<1000x256xf32>, vector<256x256xf32>, vector<1000x256xf32> -> vector<1000x256xf32>
    %get3A_6 = arith.constant 0 : index
    %get3A_7 = arith.constant 0 : index
    %get3A_8 = vector.load %arg2[%get3A_6, %get3A_7] : memref<1000x128xf32, #tpu.memory_space<vmem>>, vector<1000x128xf32>
    %get3A_9 = arith.constant 0 : index
    %get3A_10 = arith.constant 0 : index
    %get3A_11 = vector.load %arg5[%get3A_9, %get3A_10] : memref<128x256xf32, #tpu.memory_space<vmem>>, vector<128x256xf32>
    %dot_general3A_12 = arith.constant dense<0.000000e+00> : vector<1000x256xf32>
    %dot_general3A_13 = tpu.matmul %get3A_8, %get3A_11, %dot_general3A_12 {dimension_numbers = #tpu.dot_dimension_numbers<[1], [0], [0], [1], [0, 0, 1, 1], [], []>, transpose_lhs_hint = false} : vector<1000x128xf32>, vector<128x256xf32>, vector<1000x256xf32> -> vector<1000x256xf32>
    %add3A = arith.addf %dot_general3A_5, %dot_general3A_13 : vector<1000x256xf32>
    %get3A_14 = arith.constant 0 : index
    %get3A_15 = arith.constant 0 : index
    %get3A_16 = vector.load %arg3[%get3A_14, %get3A_15] : memref<1000x128xf32, #tpu.memory_space<vmem>>, vector<1000x128xf32>
    %get3A_17 = arith.constant 0 : index
    %get3A_18 = arith.constant 0 : index
    %get3A_19 = vector.load %arg6[%get3A_17, %get3A_18] : memref<128x256xf32, #tpu.memory_space<vmem>>, vector<128x256xf32>
    %dot_general3A_20 = arith.constant dense<0.000000e+00> : vector<1000x256xf32>
    %dot_general3A_21 = tpu.matmul %get3A_16, %get3A_19, %dot_general3A_20 {dimension_numbers = #tpu.dot_dimension_numbers<[1], [0], [0], [1], [0, 0, 1, 1], [], []>, transpose_lhs_hint = false} : vector<1000x128xf32>, vector<128x256xf32>, vector<1000x256xf32> -> vector<1000x256xf32>
    %add3A_22 = arith.addf %add3A, %dot_general3A_21 : vector<1000x256xf32>
    %get3A_23 = arith.constant 0 : index
    %get3A_24 = arith.constant 0 : index
    %get3A_25 = vector.load %arg7[%get3A_23, %get3A_24] : memref<1x256xf32, #tpu.memory_space<vmem>>, vector<1x256xf32>
    %add3A_26 = vector.broadcast %get3A_25 : vector<1x256xf32> to vector<1000x256xf32>
    %add3A_27 = arith.addf %add3A_22, %add3A_26 : vector<1000x256xf32>
    %max3A = arith.constant 0.000000e+00 : f32
    %max3A_28 = vector.broadcast %max3A : f32 to vector<1000x256xf32>
    %max3A_29 = arith.maximumf %add3A_27, %max3A_28 : vector<1000x256xf32>
    %get3A_30 = arith.constant 0 : index
    %get3A_31 = arith.constant 0 : index
    %get3A_32 = vector.load %arg8[%get3A_30, %get3A_31] : memref<256x128xf32, #tpu.memory_space<vmem>>, vector<256x128xf32>
    %dot_general3A_33 = arith.constant dense<0.000000e+00> : vector<1000x128xf32>
    %dot_general3A_34 = tpu.matmul %max3A_29, %get3A_32, %dot_general3A_33 {dimension_numbers = #tpu.dot_dimension_numbers<[1], [0], [0], [1], [0, 0, 1, 1], [], []>, transpose_lhs_hint = false} : vector<1000x256xf32>, vector<256x128xf32>, vector<1000x128xf32> -> vector<1000x128xf32>
    %get3A_35 = arith.constant 0 : index
    %get3A_36 = arith.constant 0 : index
    %get3A_37 = vector.load %arg9[%get3A_35, %get3A_36] : memref<1x128xf32, #tpu.memory_space<vmem>>, vector<1x128xf32>
    %add3A_38 = vector.broadcast %get3A_37 : vector<1x128xf32> to vector<1000x128xf32>
    %add3A_39 = arith.addf %dot_general3A_34, %add3A_38 : vector<1000x128xf32>
    %swap3A = arith.constant 0 : index
    %swap3A_40 = arith.constant 0 : index
    %swap3A_41 = vector.load %arg10[%swap3A, %swap3A_40] : memref<1000x128xf32, #tpu.memory_space<vmem>>, vector<1000x128xf32>
    tpu.vector_store %arg10[%swap3A, %swap3A_40], %add3A_39 {strides = array<i32>} : memref<1000x128xf32, #tpu.memory_space<vmem>>, vector<1000x128xf32>,
    return
  }
  func.func @transform_0(%arg0: i32) -> (i32, i32) {
    %c0_i32 = arith.constant 0 : i32
    %c0_i32_0 = arith.constant 0 : i32
    return %arg0, %c0_i32 : i32, i32
  }
  func.func @transform_1(%arg0: i32) -> (i32, i32) {
    %c0_i32 = arith.constant 0 : i32
    %c0_i32_0 = arith.constant 0 : i32
    return %arg0, %c0_i32 : i32, i32
  }
  func.func @transform_2(%arg0: i32) -> (i32, i32) {
    %c0_i32 = arith.constant 0 : i32
    %c0_i32_0 = arith.constant 0 : i32
    return %arg0, %c0_i32 : i32, i32
  }
  func.func @transform_3(%arg0: i32) -> (i32, i32) {
    %c0_i32 = arith.constant 0 : i32
    %c0_i32_0 = arith.constant 0 : i32
    %c0_i32_1 = arith.constant 0 : i32
    return %c0_i32, %c0_i32_0 : i32, i32
  }
  func.func @transform_4(%arg0: i32) -> (i32, i32) {
    %c0_i32 = arith.constant 0 : i32
    %c0_i32_0 = arith.constant 0 : i32
    %c0_i32_1 = arith.constant 0 : i32
    return %c0_i32, %c0_i32_0 : i32, i32
  }
  func.func @transform_5(%arg0: i32) -> (i32, i32) {
    %c0_i32 = arith.constant 0 : i32
    %c0_i32_0 = arith.constant 0 : i32
    %c0_i32_1 = arith.constant 0 : i32
    return %c0_i32, %c0_i32_0 : i32, i32
  }
  func.func @transform_6(%arg0: i32) -> (i32, i32) {
    %c0_i32 = arith.constant 0 : i32
    %c0_i32_0 = arith.constant 0 : i32
    %c0_i32_1 = arith.constant 0 : i32
    return %c0_i32, %c0_i32_0 : i32, i32
  }
  func.func @transform_7(%arg0: i32) -> (i32, i32) {
    %c0_i32 = arith.constant 0 : i32
    %c0_i32_0 = arith.constant 0 : i32
    %c0_i32_1 = arith.constant 0 : i32
    return %c0_i32, %c0_i32_0 : i32, i32
  }
  func.func @transform_8(%arg0: i32) -> (i32, i32) {
    %c0_i32 = arith.constant 0 : i32
    %c0_i32_0 = arith.constant 0 : i32
    %c0_i32_1 = arith.constant 0 : i32
    return %c0_i32, %c0_i32_0 : i32, i32
  }
  func.func @transform_9(%arg0: i32) -> (i32, i32) {
    %c0_i32 = arith.constant 0 : i32
    %c0_i32_0 = arith.constant 0 : i32
    return %arg0, %c0_i32 : i32, i32
  }
}

</mosaic_0001>

<sc_bundles>
// kernel: kernel.6.cloned.1.call-start
scs
__scs_entry_jumppad:
0x0: {  	(pc) =	sbr.rel $0x88, $3  }
0x1: {  	(tag) =	ssettag $0x0;
	lr =	simm.s32 $0x1  }
0x2: {  	[smem:$0x3F96] =	sst lr;
	_ =	strace $0xD0000000  }
0x3: {  	_ = 	snop  }
0x4: {  	_ = 	snop  }
0x5: {  	_ = 	snop  }
0x6: {  	_ = 	snop  }
0x7: {  	_ = 	snop  }
__scs_overlays_trampoline_lowered:
0x8: {  	[smem:$0x3FA5] =	sst s0  }
0x9: {  	[smem:$0x3FA6] =	sst s1  }
0xa: {  	[smem:$0x3FA7] =	sst s2  }
0xb: {  	[smem:$0x3FA8] =	sst s3  }
0xc: {  	[smem:$0x3FA9] =	sst s4  }
0xd: {  	[smem:$0x3FAA] =	sst s5  }
0xe: {  	[smem:$0x3FAB] =	sst s6  }
0xf: {  	[smem:$0x3FAC] =	sst s7  }
0x10: {  	[smem:$0x3FAD] =	sst s8  }
0x11: {  	[smem:$0x3FAE] =	sst s9;
	s0 =	simm.s32 @!p0 $0x0  }
0x12: {  	s1 =	sld [smem:$0x3F94];
	s0 =	simm.s32 @p0 $0x1  }
0x13: {  	[smem:$0x3FAF] =	sst s0;
	s0 =	simm.s32 @!p1 $0x0  }
0x14: {  	s2 =	sld [smem:$0x3F93];
	s0 =	simm.s32 @p1 $0x1  }
0x15: {  	[smem:$0x3FB0] =	sst s0;
	s0 =	simm.s32 @!p2 $0x0  }
0x16: {  	s3 =	sld [smem:$0x3FDB];
	s0 =	simm.s32 @p2 $0x1  }
0x17: {  	s4 =	simm.s32 $0x1BF5;
	[smem:$0x3FB2] =	sst s0  }
0x18: {  	s0 =	sld [smem:$0x3F95];
	_ =	swait.ge [sflag:s4], $0x0  }
0x19: {  	s7 =	sld [smem:$0x3F96]  }
0x1a: {  	s8 =	sadd.s32 $0xFFFFE003, lr  }
0x1b: {  	s9 =	sadd.s32 $0xFFFFFEF7, lr;
	s5 =	simm.s32 $0xFFFFFFFF;
	p2 =	slt.u32 s8, $0xFFFFF086  }
0x1c: {  	p1 =	slt.u32 s9, $0xF7A;
	s5 =	simm.s32 @!p2 $0x0  }
0x1d: {  	s5 =	simm.s32 @p1 $0x1;
	p0 =	seq.s32 s7, s2  }
0x1e: {  	s7 =	smul.u32 @!p0 $0xF7A, s2;
	p2 =	seq.s32 @!p0 s5, $0x0  }
0x1f: {  	s9 =	smul.u32 $0xF7A, s1;
	s8 =	simm.s32 @!p0 $0x1BF5;
	p2 =	por !p2, p0  }
0x20: {  	[sflag:s8] =	ssyncset.s32 @!p0 $0xFFFFF086;
	s6 =	sadd.s32 @!p0 s3, s7;
	s7 =	simm.s32 @!p0 $0x108  }
0x21: {  	s3 =	sadd.s32 s3, s9;
	s6 =	sadd.s32 @!p0 $0x88, s6;
	s7 =	simm.s32 @p2 $0x1082  }
0x22: {  	[simem:s7], [sflag:s8] =	dma.local @!p0 [hbm:s6], $0xF7A  }
0x23: {  	s9 =	sor.u32 $0xD0000000, s2;
	s6 =	simm.s32 $0x108;
	_ =	swait.ge @!p0 [sflag:s8], $0x0  }
0x24: {  	s3 =	sadd.s32 $0x88, s3;
	s6 =	simm.s32 @!p1 $0x1082;
	[sflag:s4] =	ssyncset.s32 $0xFFFFF086  }
0x25: {  	[simem:s6], [sflag:s4] =	dma.local [hbm:s3], $0xF7A  }
0x26: {  	[smem:$0x3F96] =	sst s1;
	(tag) =	ssettag s2;
	_ =	strace s9  }
0x27: {  	s1 =	sld [smem:$0x3FA6]  }
0x28: {  	s2 =	sld [smem:$0x3FA7]  }
0x29: {  	s4 =	sld [smem:$0x3FA9]  }
0x2a: {  	p0 =	seq.s32 s5, $0x0;
	s5 =	sld [smem:$0x3FAA]  }
0x2b: {  	s6 =	sld [smem:$0x3FAB]  }
0x2c: {  	s7 =	sld [smem:$0x3FAC]  }
0x2d: {  	s3 =	simm.s32 $0x108;
	s8 =	sld [smem:$0x3FAD]  }
0x2e: {  	s3 =	simm.s32 @!p0 $0x1082;
	s9 =	sld [smem:$0x3FAE]  }
0x2f: {  	lr =	sadd.s32 s0, s3;
	s0 =	sld [smem:$0x3FA5]  }
0x30: {  	s3 =	sld [smem:$0x3FA8]  }
0x31: {  	[smem:$0x3FB1] =	sst s10  }
0x32: {  	s10 =	sld [smem:$0x3FAF];
	_ =	sdelay $0x3  }
0x33: {  	p0 =	seq.s32 s10, $0x1;
	s10 =	sld [smem:$0x3FB1];
	_ =	sdelay $0x3  }
0x34: {  	[smem:$0x3FB1] =	sst s10  }
0x35: {  	s10 =	sld [smem:$0x3FB0];
	_ =	sdelay $0x3  }
0x36: {  	p1 =	seq.s32 s10, $0x1;
	s10 =	sld [smem:$0x3FB1];
	_ =	sdelay $0x3  }
0x37: {  	[smem:$0x3FB1] =	sst s10  }
0x38: {  	s10 =	sld [smem:$0x3FB2]  }
0x39: {  	_ = 	snop;
	(pc) =	sbr.ind lr, $3  }
0x3a: {  	_ = 	snop  }
0x3b: {  	_ = 	snop  }
0x3c: {  	p2 =	seq.s32 s10, $0x1;
	s10 =	sld [smem:$0x3FB1]  }
0x3d: {  	_ =	shalt  }
0x3e: {  	_ =	shalt  }
0x3f: {  	_ =	shalt  }
0x40: {  	_ =	shalt  }
0x41: {  	_ =	shalt  }
0x42: {  	_ =	shalt  }
0x43: {  	_ =	shalt  }
0x44: {  	_ =	shalt  }
0x45: {  	_ =	shalt  }
0x46: {  	_ =	shalt  }
0x47: {  	_ =	shalt  }
0x48: {  	_ =	shalt  }
0x49: {  	_ =	shalt  }
0x4a: {  	_ =	shalt  }
0x4b: {  	_ =	shalt  }
0x4c: {  	_ =	shalt  }
0x4d: {  	_ =	shalt  }
0x4e: {  	_ =	shalt  }
0x4f: {  	_ =	shalt  }
0x50: {  	_ =	shalt  }
0x51: {  	_ =	shalt  }
0x52: {  	_ =	shalt  }
0x53: {  	_ =	shalt  }
0x54: {  	_ =	shalt  }
0x55: {  	_ =	shalt  }
0x56: {  	_ =	shalt  }
0x57: {  	_ =	shalt  }
0x58: {  	_ =	shalt  }
0x59: {  	_ =	shalt  }
0x5a: {  	_ =	shalt  }
0x5b: {  	_ =	shalt  }
0x5c: {  	_ =	shalt  }
0x5d: {  	_ =	shalt  }
0x5e: {  	_ =	shalt  }
0x5f: {  	_ =	shalt  }
0x60: {  	_ =	shalt  }
0x61: {  	_ =	shalt  }
0x62: {  	_ =	shalt  }
0x63: {  	_ =	shalt  }
0x64: {  	_ =	shalt  }
0x65: {  	_ =	shalt  }
0x66: {  	_ =	shalt  }
0x67: {  	_ =	shalt  }
0x68: {  	_ =	shalt  }
0x69: {  	_ =	shalt  }
0x6a: {  	_ =	shalt  }
0x6b: {  	_ =	shalt  }
0x6c: {  	_ =	shalt  }
0x6d: {  	_ =	shalt  }
0x6e: {  	_ =	shalt  }
0x6f: {  	_ =	shalt  }
0x70: {  	_ =	shalt  }
0x71: {  	_ =	shalt  }
0x72: {  	_ =	shalt  }
0x73: {  	_ =	shalt  }
0x74: {  	_ =	shalt  }
0x75: {  	_ =	shalt  }
0x76: {  	_ =	shalt  }
0x77: {  	_ =	shalt  }
0x78: {  	_ =	shalt  }
0x79: {  	_ =	shalt  }
0x7a: {  	_ =	shalt  }
0x7b: {  	_ =	shalt  }
0x7c: {  	_ =	shalt  }
0x7d: {  	_ =	shalt  }
0x7e: {  	_ =	shalt  }
0x7f: {  	_ =	shalt  }
0x80: {  	_ =	shalt  }
0x81: {  	_ =	shalt  }
0x82: {  	_ =	shalt  }
0x83: {  	_ =	shalt  }
0x84: {  	_ =	shalt  }
0x85: {  	_ =	shalt  }
0x86: {  	_ =	shalt  }
0x87: {  	_ =	shalt  }
.Lfunc_end0:
.L_simem_size_0:
called_computation_lowered:
.L_overlay_start_0:
0x88: {  	s2 =	sld [smem:$0x3FD9]  }
0x89: {  	s3 =	sld [smem:$0x3FFE];
	_ =	sdelay $0x1  }
0x8a: {  	s1 =	srdreg.scid  }
0x8b: {  	s0 =	sand.u32 $0x1, s1  }
0x8c: {  	s14 =	sshll.u32 s0, $0xA;
	s2 =	sadd.s32 s3, s2  }
0x8d: {  	s2 =	sadd.s32 s2, s14  }
0x8e: {  	[smem:$0x3FBD] =	sst s2  }
0x8f: {  	_ = 	snop  }
0x90: {  	s2 =	sld [smem:$0x3FD0];
	_ =	sdelay $0x2  }
0x91: {  	s4 =	simm.s32 $0xA;
	s5 =	simm.s32 $0x10;
	s15 =	sld [smem:$0x3FC4]  }
0x92: {  	[smem:s5], [sflag:s4] =	dma.local [hbm:s2], $0x1  }
0x93: {  	_ =	swait.eq [sflag:s4], $0x1  }
0x94: {  	[sflag:s4] =	ssyncset.done $0x0  }
0x95: {  	[sflag:s4] =	ssyncadd.s32 $0xFFFFFFFF  }
0x96: {  	s16 =	sld [smem:$0x11];
	(tm) =	ssettm $0x1  }
0x97: {  	s17 =	sld [smem:$0x3FFB];
	_ =	sdelay $0x3  }
0x98: {  	_ =	strace s17  }
0x99: {  	s4 =	sld [smem:$0x3FFC];
	_ =	sdelay $0x3  }
0x9a: {  	_ =	strace s4  }
0x9b: {  	s4 =	sld [smem:$0x3FFD];
	_ =	sdelay $0x3  }
0x9c: {  	_ =	strace s4  }
0x9d: {  	_ =	strace $0x8FFFFFFF  }
0x9e: {  	s18 =	sld [smem:$0x3FDB];
	_ =	sdelay $0x1  }
0x9f: {  	s19 =	simm.s32 $_scs_section_size  }
0xa0: {  	s6 =	simm.s32 $_size__tile_overlayer_lowered;
	s7 =	simm.s32 $_tile_overlayer_lowered  }
0xa1: {  	s22 =	simm.s32 $0x1BFF;
	s21 =	sshll.u32 s7, $0x1;
	s4 =	sadd.s32 s19, s18  }
0xa2: {  	s8 =	simm.s32 $0x0;
	s20 =	sshll.u32 s6, $0x1;
	s6 =	sadd.s32 s21, s4  }
0xa3: {  	[timem:s8], [sflag:s22] =	dma.local [hbm:s6], s20  }
0xa4: {  	_ =	swait.ge [sflag:s22], s20  }
0xa5: {  	s5 =	ssub.s32 $0x0, s20;
	[sflag:s22] =	ssyncset.done $0x0  }
0xa6: {  	[sflag:s22] =	ssyncadd.s32 s5;
	_ =	sdelay $0x1  }
0xa7: {  	s23 =	simm.s32 $0x1B8B  }
0xa8: {  	_ =	swait.ge [sflag:s23], $0x1  }
0xa9: {  	[sflag:s23] =	ssyncset.done $0x0  }
0xaa: {  	s25 =	simm.s32 $0x1B8E;
	s24 =	sld [smem:$0x3FFE];
	[sflag:s23] =	ssyncadd.s32 $0xFFFFFFFF  }
0xab: {  	s26 =	simm.s32 $execute0_lowered;
	[smem:$0x3FD2] =	sst s25  }
0xac: {  	s6 =	sshll.u32 s26, $0x1;
	_ =	strace $0x80000046;
	[dreg:$0x1] =	wrdreg $0xFFFFFFFF  }
0xad: {  	s28 =	simm.s32 $_size_execute0_lowered;
	s4 =	sadd.s32 s4, s6;
	[dreg:$0x0] =	wrdreg $0x0  }
0xae: {  	s6 =	sshll.u32 s28, $0x1;
	[dreg:$0x2] =	wrdreg s4  }
0xaf: {  	[dreg:$0x3] =	wrdreg s6  }
0xb0: {  	[dreg:$0x4] =	wrdreg $0xC0  }
0xb1: {  	_ =	task [dreg:s8], $0x5FFFF  }
0xb2: {  	[dreg:$0x1] =	wrdreg $0xFFFFFFFF  }
0xb3: {  	[dreg:$0x0] =	wrdreg $0x60  }
0xb4: {  	[dreg:$0x2] =	wrdreg s24  }
0xb5: {  	[dreg:$0x3] =	wrdreg s15  }
0xb6: {  	[dreg:$0x4] =	wrdreg s16  }
0xb7: {  	[dreg:$0x5] =	wrdreg $0xB1000  }
0xb8: {  	[dreg:$0x6] =	wrdreg $0x9  }
0xb9: {  	_ =	task.clear_ibuf [dreg:s8], $0x7FFFF;
	_ =	strace $0x90000046  }
0xba: {  	s29 =	simm.s32 $0x9;
	_ =	strace $0x80000048  }
0xbb: {  	_ =	swait.ge [sflag:s29], $0x1  }
0xbc: {  	[sflag:s29] =	ssyncadd.s32 $0xFFFFFFFF  }
0xbd: {  	_ =	strace $0x90000048  }
0xbe: {  	_ =	sfence  }
0xbf: {  	s30 =	sld [smem:$0x0];
	_ =	sdelay $0x2  }
0xc0: {  	s31 =	sshll.u32 s1, $0xD;
	s1 =	sshrl.u32 s1, $0x2  }
0xc1: {  	s3 =	sand.u32 $0x4000, s31;
	s1 =	sadd.s32 s1, s30  }
0xc2: {  	s0 =	sor.u32 s3, s0;
	s1 =	sshll.u32 s1, $0x11  }
0xc3: {  	s0 =	sor.u32 s1, s0  }
0xc4: {  	s0 =	sadd.s32 $0x8F2B, s0  }
0xc5: {  	[sflag:s0] =	ssyncadd.remote.s32 $0x1  }
0xc6: {  	_ =	sfence.sel $0xFFFF  }
0xc7: {  	[dreg:$0x0] =	wrdreg $0xFFFFFFFF;
	(pc) =	sbr.abs _section_cstart, $3  }
0xc8: {  	[dreg:$0x1] =	wrdreg $0xFFFFFFFF  }
0xc9: {  	_ =	task.clear_ibuf [dreg:s8], $0x2FFFF;
	_ =	strace $0x9FFFFFFF  }
0xca: {  	(tm) =	ssettm $0x7FFFFFFF  }
0xcb: {  	_ =	shalt  }
tec
execute0_lowered:
.L_overlay_start_1:
0x0: {  	(tag) =	ssettag $0x1  }
0x1: {  	s0 =	rddreg [dreg:$0x0]  }
0x2: {  	s6 =	rddreg [dreg:$0x1];
	s17 =	simm.s32 $0x0;
	s16 =	stileid.u32  }
0x3: {  	s29 =	simm.s32 $0x50;
	s30 =	simm.s32 $0x1C00;
	s31 =	simm.s32 $0x4400  }
0x4: {  	[smem:$0x7FF] =	sst s17;
	s1 =	sadd.s32 $0x285400, s0;
	s19 =	smul.u32 $0x27100, s16  }
0x5: {  	s12 =	rddreg [dreg:$0x3];
	s2 =	sadd.s32 $0x2AC600, s0;
	s8 =	sadd.s32 $0x2D3800, s0  }
0x6: {  	s20 =	srdreg.scid;
	s9 =	sadd.s32 $0x2FAA00, s0;
	s10 =	sadd.s32 $0x273C00, s0  }
0x7: {  	s4 =	smul.u32 $0x7D000, s16;
	s5 =	sadd.s32 $0x2C00, s0;
	s11 =	sadd.s32 $0x50E00, s0  }
0x8: {  	p2 =	slt.u32 s16, $0xA;
	_ =	strace $0x80000047;
	[dreg:$0x6] =	wrdreg s1  }
0x9: {  	s7 =	smov.u32 s12;
	s24 =	sadd.s32 $0x10, s6;
	[dreg:$0x7] =	wrdreg s2  }
0xa: {  	s13 =	smul.u32 $0x8C00, s16;
	s25 =	sadd.s32 $0x20, s6;
	[dreg:$0x9] =	wrdreg s24  }
0xb: {  	s23 =	smul.u32 $0x3E80, s16;
	s6 =	sadd.s32 $0x30, s6;
	[dreg:$0xa] =	wrdreg s25  }
0xc: {  	s26 =	smul.u32 $0x1F400, s16;
	s2 =	sand.u32 $0x1, s20;
	[dreg:$0xb] =	wrdreg s6  }
0xd: {  	v0 =	vimm.s32 $0xFEDCBA98;
	v1 =	vimm.s32 $0x76543210;
	v2 =	vimm.s32 $0xBA98FEDC;
	s1 =	sadd.s32 s19, s0;
	s3 =	ssub.s32 $0x2, s2;
	s22 =	sshrl.u32 s4, $0x2  }
0xe: {  	v3 =	vimm.s32 $0x32107654;
	v4 =	vimm.s32 $0xDCFE98BA;
	p1 =	seq.s32 s2, $0x0;
	p0 =	seq.s32 s2, $0x1;
	s18 =	sadd.s32 $0x8C000, s13  }
0xf: {  	v5 =	vimm.s32 $0x54761032;
	v6 =	vimm.s32 $0xEFCDAB89;
	v7 =	vimm.s32 $0x67452301;
	s28 =	sshrl.u32 s26, $0x3;
	p4 =	sne.s32 s2, $0x0;
	s2 =	simm.s32 $0x1  }
0x10: {  	v0 =	vunpack.c.l.s4.s8 v0;
	v1 =	vunpack.c.l.s4.s8 v1;
	v2 =	vunpack.c.l.s4.s8 v2;
	s21 =	sshrl.u32 s3, $0x1;
	s4 =	sadd.s32 s22, s12;
	s14 =	sadd.s32 $0x321C00, s1  }
0x11: {  	v3 =	vunpack.c.l.s4.s8 v3;
	v4 =	vunpack.c.l.s4.s8 v4;
	v5 =	vunpack.c.l.s4.s8 v5;
	s15 =	sadd.s32 $0x592C00, s1;
	p1 =	por !p1, !p2;
	s1 =	sadd.s32 s5, s23  }
0x12: {  	v6 =	vunpack.c.l.s4.s8 v6;
	v7 =	vunpack.c.l.s4.s8 v7;
	v0 =	vunpack.c.0.s8.s32 v0;
	p3 =	por !p2, !p0;
	p2 =	sgt.u32 s16, $0x9;
	s0 =	ssub.s32 s3, s21  }
0x13: {  	v2 =	vunpack.c.0.s8.s32 v2;
	v3 =	vunpack.c.0.s8.s32 v3;
	v4 =	vunpack.c.0.s8.s32 v4;
	p1 =	por !p1, !p1;
	[dreg:$0xc] =	wrdreg s1;
	s1 =	sadd.s32 s5, s28  }
.Ltmp0:
0x14: {  	v5 =	vunpack.c.0.s8.s32 v5;
	v6 =	vunpack.c.0.s8.s32 v6;
	v7 =	vunpack.c.0.s8.s32 v7;
	[dreg:$0x8] =	wrdreg s4;
	s1 =	sadd.s32 $0x27100, s1;
	(pc) =	sbr.rel .LBB2_1-.Ltmp0, $4  }
0x15: {  	v1 =	vunpack.c.0.s8.s32 v1;
	s3 =	sshll.u32 @!p2 s16, $0x6;
	v2 =	vcombine.low v3, v2;
	s0 =	smax.u32 s0, $0x1;
	[dreg:$0xd] =	wrdreg s1  }
0x16: {  	p3 =	por !p3, !p3;
	v3 =	vcombine.low v5, v4;
	v4 =	vand.u32 $0xF, v0;
	v5 =	vcombine.low v7, v6;
	[dreg:$0xe] =	wrdreg s0;
	s0 =	sor.u32 @!p2 $0x1C03, s3  }
0x17: {  	v0 =	vlaneseq.u32;
	s16 =	simm.s32 $0x2;
	v1 =	vcombine.low v4, v1;
	[dreg:$0xf] =	wrdreg s0;
	s0 =	sshrl.u32 @!p2 s4, $0x3  }
0x18: {  	v2 =	vand.u32 $0xF, v2;
	v3 =	vand.u32 $0xF, v3;
	v4 =	vand.u32 $0xF, v5;
	s1 =	simm.s32 $0x4;
	[dreg:$0x10] =	wrdreg s0;
	s0 =	simm.s32 $0x6C00  }
.LBB2_15:
0x19: {  	s6 =	stileid.u32;
	[bflag:$0x0] =	sbarrier.arrive $0xFFFF  }
0x1a: {  	s3 =	sshll.u32 @p1 s6, $0x6;
	s12 =	rddreg [dreg:$0x8]  }
0x1b: {  	s5 =	rddreg [dreg:$0xc];
	s3 =	sor.u32 @p1 $0x1C03, s3;
	s4 =	sshrl.u32 @p1 s12, $0x3  }
0x1c: {  	[hbm:s5], [sflag:s3] =	dma.local @p1 [spmem:s4], $0x3E80  }
0x1d: {  	s3 =	simm.s32 @p1 $0x3  }
0x1e: {  	_ =	swait.ge @p1 [sflag:s3], $0x3E80  }
0x1f: {  	s4 =	sshll.u32 @p3 s6, $0x6;
	[sflag:s3] =	ssyncset.done @p1 $0x0;
	s6 =	rddreg [dreg:$0xd]  }
0x20: {  	[sflag:s3] =	ssyncadd.s32 @p1 $0xFFFFC180;
	s3 =	sor.u32 @p3 $0x1C03, s4;
	s4 =	sshrl.u32 @p3 s12, $0x3  }
0x21: {  	[hbm:s6], [sflag:s3] =	dma.local @p3 [spmem:s4], $0x3E80  }
0x22: {  	s3 =	simm.s32 @p3 $0x3  }
0x23: {  	_ =	swait.ge @p3 [sflag:s3], $0x3E80  }
0x24: {  	s17 =	rddreg [dreg:$0x5]  }
0x25: {  	s28 =	rddreg [dreg:$0xe];
	s17 =	sadd.s32 $0x1, s17  }
0x26: {  	p5 =	sne.s32 s17, s28  }
.Ltmp1:
0x27: {  	_ = 	snop;
	(pc) =	sbr.rel @!p5 .LBB2_16-.Ltmp1, $3  }
0x28: {  	_ =	sdelay $0x1  }
0x29: {  	[sflag:s3] =	ssyncset.done @p3 $0x0  }
0x2a: {  	s5 =	stileid.u32;
	[sflag:s3] =	ssyncadd.s32 @p3 $0xFFFFC180  }
.LBB2_1:
0x2b: {  	[dreg:$0x5] =	wrdreg s17  }
0x2c: {  	s3 =	rddreg [dreg:$0x2]  }
0x2d: {  	s4 =	rddreg [dreg:$0xf]  }
0x2e: {  	s5 =	rddreg [dreg:$0x10]  }
0x2f: {  	[spmem:s5], [sflag:s4] =	dma.local @!p2 [hbm:s3], $0x3E80  }
0x30: {  	s3 =	simm.s32 @!p2 $0x3  }
.Ltmp2:
0x31: {  	_ =	swait.ge @!p2 [sflag:s3], $0x3E80;
	(pc) =	sbr.rel @p4 .LBB2_8-.Ltmp2, $3  }
0x32: {  	[sflag:s3] =	ssyncset.done @!p2 $0x0  }
0x33: {  	[sflag:s3] =	ssyncadd.s32 @!p2 $0xFFFFC180  }
0x34: {  	[bflag:$0x0] =	sbarrier.arrive $0xFFFF;
	_ =	sdelay $0x1  }
0x35: {  	s17 =	simm.s32 $0x0  }
0x36: {  	s3 =	rddreg [dreg:$0x1];
	s4 =	simm.s32 $0xB000;
	s26 =	simm.s32 $0x3  }
0x37: {  	[tilespmem:s4], [sflag:$0x3] =	stream.linear.gather [hbm4b:s3+s17], $0x80, $0x38;
	[tilespmem:$0x1E980] =	vst v63  }
0x38: {  	_ =	swait.ge [sflag:s26], $0x80  }
0x39: {  	[sflag:s26] =	ssyncset.done $0x0  }
0x3a: {  	s5 =	simm.s32 $0xB080;
	s28 =	rddreg [dreg:$0x9];
	[sflag:s26] =	ssyncadd.s32 $0xFFFFFF80  }
0x3b: {  	[tilespmem:s5], [sflag:$0x3] =	stream.linear.gather [hbm4b:s28+s17], $0x80, $0x38;
	[tilespmem:$0x1E980] =	vst v63  }
0x3c: {  	_ =	swait.ge [sflag:s26], $0x80  }
0x3d: {  	[sflag:s26] =	ssyncset.done $0x0  }
0x3e: {  	[sflag:s26] =	ssyncadd.s32 $0xFFFFFF80  }
0x3f: {  	v5 =	vld [tilespmem:$0xB000]  }
0x40: {  	v6 =	vld [tilespmem:$0xB010]  }
0x41: {  	v7 =	vld [tilespmem:$0xB020]  }
0x42: {  	v8 =	vld [tilespmem:$0xB030]  }
0x43: {  	v9 =	vld [tilespmem:$0xB040]  }
0x44: {  	v10 =	vld [tilespmem:$0xB050]  }
0x45: {  	v11 =	vld [tilespmem:$0xB060]  }
0x46: {  	v12 =	vld [tilespmem:$0xB070]  }
0x47: {  	v13 =	vld [tilespmem:$0xB080]  }
0x48: {  	v14 =	vld [tilespmem:$0xB090]  }
0x49: {  	v15 =	vld [tilespmem:$0xB0A0]  }
0x4a: {  	v16 =	vld [tilespmem:$0xB0B0]  }
0x4b: {  	v17 =	vld [tilespmem:$0xB0C0]  }
0x4c: {  	v18 =	vld [tilespmem:$0xB0D0]  }
0x4d: {  	v19 =	vld [tilespmem:$0xB0E0]  }
0x4e: {  	s25 =	simm.s32 $0x0;
	v20 =	vld [tilespmem:$0xB0F0]  }
.LBB2_3:
0x4f: {  	s3 =	smul.u32 $0x29, s25;
	_ =	sdelay $0x1  }
0x50: {  	s3 =	sshrl.u32 s3, $0xA  }
0x51: {  	s28 =	sand.u32 $0x3F, s3  }
0x52: {  	s3 =	smul.u32 $0xFFFFFFE7, s28;
	_ =	sdelay $0x1  }
0x53: {  	s19 =	sadd.s32 s25, s3  }
0x54: {  	p5 =	sne.s32 s19, $0x0  }
0x55: {  	s3 =	smul.u32 @!p5 $0x1C00, s28;
	_ =	sdelay $0x1  }
0x56: {  	s3 =	sadd.s32 @!p5 s13, s3  }
0x57: {  	s3 =	sshrl.u32 @!p5 s3, $0x3  }
0x58: {  	s4 =	simm.s32 @!p5 $0x0;
	s3 =	sadd.s32 @!p5 s10, s3  }
0x59: {  	[tilespmem:s4], [sflag:$0x4] =	stream.linear.gather @!p5 [hbm4b:s3+s4], $0x1900, $0x38;
	[tilespmem:$0x1E980] =	vst v63  }
0x5a: {  	s3 =	simm.s32 @!p5 $0x4  }
0x5b: {  	_ =	swait.ge @!p5 [sflag:s3], $0x1900  }
0x5c: {  	[sflag:s3] =	ssyncset.done @!p5 $0x0  }
0x5d: {  	s22 =	sshll.u32 s19, $0x8;
	s23 =	rddreg [dreg:$0x6];
	[sflag:s3] =	ssyncadd.s32 @!p5 $0xFFFFE700  }
0x5e: {  	[tilespmem:s30], [sflag:$0x1] =	stream.indirect.gather [hbm4b:s23+s29], $0x80, s22, s29, $0xb8;
	[tilespmem:$0x1E980] =	vst v63  }
0x5f: {  	s24 =	smul.u32 $0x500, s25;
	s20 =	sor.u32 $0x80, s22  }
0x60: {  	[tilespmem:s31], [sflag:$0x2] =	stream.indirect.gather [hbm4b:s8+s29], $0x80, s20, s29, $0xb8;
	[tilespmem:$0x1E980] =	vst v63  }
0x61: {  	s4 =	sadd.s32 s14, s24  }
0x62: {  	[tilespmem:s0], [sflag:$0x4] =	stream.linear.gather [hbm4b:s4+s17], $0x2800, $0x38;
	[tilespmem:$0x1E980] =	vst v63  }
0x63: {  	_ =	swait.ge [sflag:s1], $0x2800  }
0x64: {  	[sflag:s1] =	ssyncset.done $0x0  }
0x65: {  	[sflag:s1] =	ssyncadd.s32 $0xFFFFD800  }
0x66: {  	_ =	swait.ge [sflag:s2], $0x2800  }
0x67: {  	[sflag:s2] =	ssyncset.done $0x0  }
0x68: {  	[sflag:s2] =	ssyncadd.s32 $0xFFFFD800  }
0x69: {  	s21 =	simm.s32 $0x1C40;
	s26 =	sadd.s32 $0x9400, s22;
	_ =	swait.ge [sflag:s16], $0x2800  }
0x6a: {  	s24 =	simm.s32 $0x0;
	s3 =	sadd.s32 $0x9480, s22;
	[sflag:s16] =	ssyncset.done $0x0  }
0x6b: {  	v21 =	vmov s26;
	s22 =	simm.s32 $0x4440;
	s23 =	simm.s32 $0x6C40;
	v22 =	vmov s3;
	[sflag:s16] =	ssyncadd.s32 $0xFFFFD800  }
.LBB2_4:
0x6c: {  	v23 =	vld [tilespmem:s21+$0xFFFFFFC0]  }
0x6d: {  	v24 =	vld [tilespmem:s22+$0xFFFFFFC0];
	_ =	sdelay $0x1  }
0x6e: {  	v25 =	vld [tilespmem:s23+$0xFFFFFFC0];
	_ =	sdelay $0x2  }
0x6f: {  	v23 =	vadd.f32 v24, v23;
	_ =	sdelay $0x1  }
0x70: {  	v23 =	vadd.f32 v25, v23;
	_ =	sdelay $0x1  }
0x71: {  	v23 =	vmax.f32 v23, $0.0e+00  }
0x72: {  	[tilespmem:s23+$0xFFFFFFC0] =	vst v23  }
0x73: {  	v24 =	vld [tilespmem:s21+$0xFFFFFFD0]  }
0x74: {  	v25 =	vld [tilespmem:s22+$0xFFFFFFD0];
	_ =	sdelay $0x1  }
0x75: {  	v26 =	vld [tilespmem:s23+$0xFFFFFFD0];
	_ =	sdelay $0x2  }
0x76: {  	v24 =	vadd.f32 v25, v24;
	_ =	sdelay $0x1  }
0x77: {  	v24 =	vadd.f32 v26, v24;
	_ =	sdelay $0x1  }
0x78: {  	v24 =	vmax.f32 v24, $0.0e+00  }
0x79: {  	[tilespmem:s23+$0xFFFFFFD0] =	vst v24  }
0x7a: {  	v25 =	vld [tilespmem:s21+$0xFFFFFFE0]  }
0x7b: {  	v26 =	vld [tilespmem:s22+$0xFFFFFFE0];
	_ =	sdelay $0x1  }
0x7c: {  	v27 =	vld [tilespmem:s23+$0xFFFFFFE0];
	_ =	sdelay $0x2  }
0x7d: {  	v25 =	vadd.f32 v26, v25;
	_ =	sdelay $0x1  }
0x7e: {  	v25 =	vadd.f32 v27, v25;
	_ =	sdelay $0x1  }
0x7f: {  	v25 =	vmax.f32 v25, $0.0e+00  }
0x80: {  	[tilespmem:s23+$0xFFFFFFE0] =	vst v25  }
0x81: {  	v26 =	vld [tilespmem:s21+$0xFFFFFFF0]  }
0x82: {  	v27 =	vld [tilespmem:s22+$0xFFFFFFF0];
	_ =	sdelay $0x1  }
0x83: {  	v28 =	vld [tilespmem:s23+$0xFFFFFFF0];
	_ =	sdelay $0x2  }
0x84: {  	v26 =	vadd.f32 v27, v26;
	_ =	sdelay $0x1  }
0x85: {  	v26 =	vadd.f32 v28, v26;
	_ =	sdelay $0x1  }
0x86: {  	v26 =	vmax.f32 v26, $0.0e+00  }
0x87: {  	[tilespmem:s23+$0xFFFFFFF0] =	vst v26  }
0x88: {  	v27 =	vld [tilespmem:s21+$0x0]  }
0x89: {  	v28 =	vld [tilespmem:s22+$0x0];
	_ =	sdelay $0x1  }
0x8a: {  	v29 =	vld [tilespmem:s23+$0x0];
	_ =	sdelay $0x2  }
0x8b: {  	v27 =	vadd.f32 v28, v27;
	_ =	sdelay $0x1  }
0x8c: {  	v27 =	vadd.f32 v29, v27;
	_ =	sdelay $0x1  }
0x8d: {  	v27 =	vmax.f32 v27, $0.0e+00  }
0x8e: {  	[tilespmem:s23+$0x0] =	vst v27  }
0x8f: {  	v29 =	vld [tilespmem:s21+$0x10]  }
0x90: {  	v30 =	vld [tilespmem:s22+$0x10];
	_ =	sdelay $0x1  }
0x91: {  	v28 =	vld [tilespmem:s23+$0x10];
	_ =	sdelay $0x2  }
0x92: {  	v29 =	vadd.f32 v30, v29;
	_ =	sdelay $0x1  }
0x93: {  	v28 =	vadd.f32 v28, v29;
	_ =	sdelay $0x1  }
0x94: {  	v28 =	vmax.f32 v28, $0.0e+00  }
0x95: {  	[tilespmem:s23+$0x10] =	vst v28  }
0x96: {  	v30 =	vld [tilespmem:s21+$0x20]  }
0x97: {  	v31 =	vld [tilespmem:s22+$0x20];
	_ =	sdelay $0x1  }
0x98: {  	v29 =	vld [tilespmem:s23+$0x20];
	_ =	sdelay $0x2  }
0x99: {  	v30 =	vadd.f32 v31, v30;
	_ =	sdelay $0x1  }
0x9a: {  	v31 =	vmul.f32 v23, v5;
	v29 =	vadd.f32 v29, v30  }
0x9b: {  	v23 =	vmul.f32 v23, v13  }
0x9c: {  	v30 =	vmul.f32 v24, v6;
	v31 =	vadd.f32 $0.0e+00, v31;
	v29 =	vmax.f32 v29, $0.0e+00  }
0x9d: {  	v24 =	vmul.f32 v24, v14;
	v23 =	vadd.f32 $0.0e+00, v23;
	[tilespmem:s23+$0x20] =	vst v29  }
0x9e: {  	v33 =	vmul.f32 v25, v7;
	v30 =	vadd.f32 v30, v31;
	v31 =	vld [tilespmem:s21+$0x30]  }
0x9f: {  	v25 =	vmul.f32 v25, v15;
	v23 =	vadd.f32 v24, v23;
	v24 =	vld [tilespmem:s22+$0x30]  }
0xa0: {  	v34 =	vmul.f32 v26, v8;
	v30 =	vadd.f32 v33, v30  }
0xa1: {  	v32 =	vld [tilespmem:s23+$0x30];
	v26 =	vmul.f32 v26, v16;
	v23 =	vadd.f32 v25, v23  }
0xa2: {  	v25 =	vmul.f32 v27, v9;
	v30 =	vadd.f32 v34, v30  }
0xa3: {  	v27 =	vmul.f32 v27, v17;
	v23 =	vadd.f32 v26, v23  }
0xa4: {  	v26 =	vmul.f32 v28, v10;
	v25 =	vadd.f32 v25, v30;
	v24 =	vadd.f32 v24, v31  }
0xa5: {  	v28 =	vmul.f32 v28, v18;
	v23 =	vadd.f32 v27, v23  }
0xa6: {  	v27 =	vmul.f32 v29, v11;
	v25 =	vadd.f32 v26, v25;
	v24 =	vadd.f32 v32, v24  }
0xa7: {  	v26 =	vmul.f32 v29, v19;
	v23 =	vadd.f32 v28, v23  }
0xa8: {  	v25 =	vadd.f32 v27, v25;
	v24 =	vmax.f32 v24, $0.0e+00  }
0xa9: {  	s5 =	sadd.s32 $0x80, s21;
	v23 =	vadd.f32 v26, v23;
	[tilespmem:s23+$0x30] =	vst v24;
	v26 =	vmul.f32 v24, v12;
	v24 =	vmul.f32 v24, v20  }
0xaa: {  	s26 =	sadd.s32 $0x80, s22;
	v27 =	vld [tilespmem:s5+$0xFFFFFFC0]  }
0xab: {  	v28 =	vld [tilespmem:s26+$0xFFFFFFC0];
	v25 =	vadd.f32 v26, v25;
	v23 =	vadd.f32 v24, v23  }
0xac: {  	s4 =	sadd.s32 $0x80, s23  }
0xad: {  	v24 =	vld [tilespmem:s4+$0xFFFFFFC0];
	v26 =	vperm.xlane v25, v1;
	v29 =	vperm.xlane v23, v1;
	_ =	sdelay $0x1  }
0xae: {  	v25 =	vadd.f32 v25, v26;
	v23 =	vadd.f32 v29, v23  }
0xaf: {  	v26 =	vadd.f32 v28, v27  }
0xb0: {  	v27 =	vperm.xlane v25, v2;
	v28 =	vperm.xlane v23, v2  }
0xb1: {  	s3 =	simm.s32 $0x0;
	v24 =	vadd.f32 v24, v26  }
0xb2: {  	v26 =	vadd.f32 v25, v27;
	v25 =	vadd.f32 v28, v23;
	v27 =	vmov s3  }
0xb3: {  	v23 =	vimm.f32 $0.0e+00;
	v29 =	vmax.f32 v24, $0.0e+00;
	v24 =	vimm.f32 $0.0e+00  }
0xb4: {  	s12 =	simm.s32 $0x1;
	s3 =	simm.s32 $0x2;
	vm0 =	veq.s32 v27, v0;
	[tilespmem:s4+$0xFFFFFFC0] =	vst v29;
	v28 =	vperm.xlane v26, v3;
	v27 =	vperm.xlane v25, v3  }
.LBB2_5:
0xb5: {  	p5 =	sne.s32 s3, $0xF;
	v30 =	vmul.f32 v29, v5;
	v29 =	vmul.f32 v29, v13;
	v31 =	vld [tilespmem:s5+$0xFFFFFFD0];
	s6 =	smov.u32 s3;
	s3 =	sadd.s32 $0x1, s3  }
0xb6: {  	v32 =	vld [tilespmem:s26+$0xFFFFFFD0];
	v26 =	vadd.f32 v26, v28;
	v25 =	vadd.f32 v27, v25  }
0xb7: {  	v27 =	vld [tilespmem:s4+$0xFFFFFFD0]  }
0xb8: {  	v28 =	vperm.xlane v26, v4;
	v33 =	vperm.xlane v25, v4;
	_ =	sdelay $0x1  }
0xb9: {  	v26 =	vadd.f32 v26, v28;
	v25 =	vadd.f32 v33, v25  }
0xba: {  	v28 =	vadd.f32 v32, v31  }
0xbb: {  	v23 =	vsel vm0, v26, v23;
	v24 =	vsel vm0, v25, v24  }
0xbc: {  	v25 =	vadd.f32 v27, v28;
	_ =	sdelay $0x1  }
0xbd: {  	v25 =	vmax.f32 v25, $0.0e+00  }
0xbe: {  	[tilespmem:s4+$0xFFFFFFD0] =	vst v25;
	v26 =	vmul.f32 v25, v6;
	v25 =	vmul.f32 v25, v14;
	v27 =	vld [tilespmem:s4+$0xFFFFFFE0]  }
0xbf: {  	v28 =	vld [tilespmem:s5+$0xFFFFFFE0]  }
0xc0: {  	v31 =	vld [tilespmem:s26+$0xFFFFFFE0];
	_ =	sdelay $0x4  }
0xc1: {  	v28 =	vadd.f32 v31, v28;
	_ =	sdelay $0x1  }
0xc2: {  	v27 =	vadd.f32 v27, v28;
	_ =	sdelay $0x1  }
0xc3: {  	v27 =	vmax.f32 v27, $0.0e+00  }
0xc4: {  	[tilespmem:s4+$0xFFFFFFE0] =	vst v27;
	v28 =	vmul.f32 v27, v7;
	v27 =	vmul.f32 v27, v15;
	v31 =	vld [tilespmem:s4+$0xFFFFFFF0]  }
0xc5: {  	v32 =	vld [tilespmem:s5+$0xFFFFFFF0]  }
0xc6: {  	v33 =	vld [tilespmem:s26+$0xFFFFFFF0];
	_ =	sdelay $0x4  }
0xc7: {  	v32 =	vadd.f32 v33, v32;
	_ =	sdelay $0x1  }
0xc8: {  	v31 =	vadd.f32 v31, v32;
	_ =	sdelay $0x1  }
0xc9: {  	v31 =	vmax.f32 v31, $0.0e+00  }
0xca: {  	[tilespmem:s4+$0xFFFFFFF0] =	vst v31;
	v32 =	vmul.f32 v31, v8;
	v31 =	vmul.f32 v31, v16;
	v33 =	vld [tilespmem:s4+$0x0]  }
0xcb: {  	v34 =	vld [tilespmem:s5+$0x0]  }
0xcc: {  	v35 =	vld [tilespmem:s26+$0x0];
	_ =	sdelay $0x4  }
0xcd: {  	v34 =	vadd.f32 v35, v34;
	_ =	sdelay $0x1  }
0xce: {  	v33 =	vadd.f32 v33, v34;
	_ =	sdelay $0x1  }
0xcf: {  	v33 =	vmax.f32 v33, $0.0e+00;
	v34 =	vld [tilespmem:s4+$0x10]  }
0xd0: {  	[tilespmem:s4+$0x0] =	vst v33;
	v35 =	vmul.f32 v33, v9;
	v33 =	vmul.f32 v33, v17  }
0xd1: {  	v36 =	vld [tilespmem:s5+$0x10]  }
0xd2: {  	v37 =	vld [tilespmem:s26+$0x10];
	_ =	sdelay $0x4  }
0xd3: {  	v36 =	vadd.f32 v37, v36;
	_ =	sdelay $0x1  }
0xd4: {  	v34 =	vadd.f32 v34, v36  }
0xd5: {  	v36 =	vld [tilespmem:s4+$0x20]  }
0xd6: {  	v34 =	vmax.f32 v34, $0.0e+00  }
0xd7: {  	[tilespmem:s4+$0x10] =	vst v34;
	v37 =	vmul.f32 v34, v10;
	v34 =	vmul.f32 v34, v18  }
0xd8: {  	v38 =	vld [tilespmem:s5+$0x20]  }
0xd9: {  	v39 =	vld [tilespmem:s26+$0x20];
	_ =	sdelay $0x1  }
0xda: {  	v29 =	vadd.f32 $0.0e+00, v29  }
0xdb: {  	v30 =	vadd.f32 $0.0e+00, v30  }
0xdc: {  	v25 =	vadd.f32 v25, v29  }
0xdd: {  	v26 =	vadd.f32 v26, v30;
	v29 =	vadd.f32 v39, v38  }
0xde: {  	v25 =	vadd.f32 v27, v25  }
0xdf: {  	v26 =	vadd.f32 v28, v26;
	v27 =	vadd.f32 v36, v29;
	v28 =	vld [tilespmem:s4+$0x30];
	_ =	sdelay $0x1  }
0xe0: {  	v26 =	vadd.f32 v32, v26;
	v25 =	vadd.f32 v31, v25;
	v27 =	vmax.f32 v27, $0.0e+00  }
0xe1: {  	[tilespmem:s4+$0x20] =	vst v27;
	v29 =	vmul.f32 v27, v11;
	v27 =	vmul.f32 v27, v19  }
0xe2: {  	v26 =	vadd.f32 v35, v26;
	v25 =	vadd.f32 v33, v25;
	v30 =	vld [tilespmem:s5+$0x30]  }
0xe3: {  	v31 =	vld [tilespmem:s26+$0x30]  }
0xe4: {  	v26 =	vadd.f32 v37, v26;
	v25 =	vadd.f32 v34, v25;
	_ =	sdelay $0x1  }
0xe5: {  	v26 =	vadd.f32 v29, v26;
	v25 =	vadd.f32 v27, v25;
	_ =	sdelay $0x1  }
0xe6: {  	v27 =	vadd.f32 v31, v30;
	_ =	sdelay $0x1  }
0xe7: {  	v27 =	vadd.f32 v28, v27;
	_ =	sdelay $0x1  }
0xe8: {  	v27 =	vmax.f32 v27, $0.0e+00  }
0xe9: {  	s5 =	sadd.s32 $0x80, s5;
	[tilespmem:s4+$0x30] =	vst v27;
	v28 =	vmul.f32 v27, v12;
	v27 =	vmul.f32 v27, v20  }
0xea: {  	s26 =	sadd.s32 $0x80, s26;
	v29 =	vld [tilespmem:s5+$0xFFFFFFC0]  }
0xeb: {  	v30 =	vld [tilespmem:s26+$0xFFFFFFC0];
	v26 =	vadd.f32 v28, v26;
	v25 =	vadd.f32 v27, v25  }
0xec: {  	s4 =	sadd.s32 $0x80, s4  }
0xed: {  	v27 =	vld [tilespmem:s4+$0xFFFFFFC0];
	v28 =	vperm.xlane v26, v1;
	v31 =	vperm.xlane v25, v1;
	_ =	sdelay $0x1  }
0xee: {  	v26 =	vadd.f32 v26, v28;
	v25 =	vadd.f32 v31, v25  }
0xef: {  	v28 =	vadd.f32 v30, v29  }
.Ltmp3:
0xf0: {  	v29 =	vperm.xlane v26, v2;
	v30 =	vperm.xlane v25, v2;
	(pc) =	sbr.rel @p5 .LBB2_5-.Ltmp3, $4  }
0xf1: {  	v27 =	vadd.f32 v27, v28  }
0xf2: {  	v26 =	vadd.f32 v26, v29;
	v25 =	vadd.f32 v30, v25  }
0xf3: {  	v29 =	vmax.f32 v27, $0.0e+00;
	v27 =	vmov s12;
	s12 =	smov.u32 s6  }
0xf4: {  	[tilespmem:s4+$0xFFFFFFC0] =	vst v29;
	vm0 =	veq.s32 v27, v0;
	v28 =	vperm.xlane v26, v3;
	v27 =	vperm.xlane v25, v3  }
0xf5: {  	v30 =	vld [tilespmem:s5+$0xFFFFFFD0]  }
0xf6: {  	v31 =	vld [tilespmem:s26+$0xFFFFFFD0];
	_ =	sdelay $0x1  }
0xf7: {  	v32 =	vld [tilespmem:s4+$0xFFFFFFD0];
	_ =	sdelay $0x2  }
0xf8: {  	v30 =	vadd.f32 v31, v30;
	_ =	sdelay $0x1  }
0xf9: {  	v30 =	vadd.f32 v32, v30;
	_ =	sdelay $0x1  }
0xfa: {  	v30 =	vmax.f32 v30, $0.0e+00  }
0xfb: {  	[tilespmem:s4+$0xFFFFFFD0] =	vst v30  }
0xfc: {  	v51 =	vld [tilespmem:s5+$0xFFFFFFE0]  }
0xfd: {  	v52 =	vld [tilespmem:s26+$0xFFFFFFE0];
	_ =	sdelay $0x1  }
0xfe: {  	v33 =	vld [tilespmem:s4+$0xFFFFFFE0];
	_ =	sdelay $0x2  }
0xff: {  	v31 =	vadd.f32 v52, v51;
	_ =	sdelay $0x1  }
0x100: {  	v31 =	vadd.f32 v33, v31;
	_ =	sdelay $0x1  }
0x101: {  	v31 =	vmax.f32 v31, $0.0e+00  }
0x102: {  	[tilespmem:s4+$0xFFFFFFE0] =	vst v31  }
0x103: {  	v53 =	vld [tilespmem:s5+$0xFFFFFFF0]  }
0x104: {  	v54 =	vld [tilespmem:s26+$0xFFFFFFF0];
	_ =	sdelay $0x1  }
0x105: {  	v34 =	vld [tilespmem:s4+$0xFFFFFFF0];
	_ =	sdelay $0x2  }
0x106: {  	v32 =	vadd.f32 v54, v53;
	_ =	sdelay $0x1  }
0x107: {  	v32 =	vadd.f32 v34, v32;
	_ =	sdelay $0x1  }
0x108: {  	v32 =	vmax.f32 v32, $0.0e+00  }
0x109: {  	[tilespmem:s4+$0xFFFFFFF0] =	vst v32  }
0x10a: {  	v55 =	vld [tilespmem:s5+$0x0]  }
0x10b: {  	v56 =	vld [tilespmem:s26+$0x0];
	_ =	sdelay $0x1  }
0x10c: {  	v35 =	vld [tilespmem:s4+$0x0];
	_ =	sdelay $0x2  }
0x10d: {  	v33 =	vadd.f32 v56, v55;
	_ =	sdelay $0x1  }
0x10e: {  	v33 =	vadd.f32 v35, v33;
	_ =	sdelay $0x1  }
0x10f: {  	v33 =	vmax.f32 v33, $0.0e+00  }
0x110: {  	[tilespmem:s4+$0x0] =	vst v33  }
0x111: {  	v58 =	vld [tilespmem:s5+$0x10]  }
0x112: {  	v36 =	vld [tilespmem:s26+$0x10];
	_ =	sdelay $0x1  }
0x113: {  	v57 =	vld [tilespmem:s4+$0x10];
	_ =	sdelay $0x2  }
0x114: {  	v35 =	vadd.f32 v36, v58;
	_ =	sdelay $0x1  }
0x115: {  	v34 =	vadd.f32 v57, v35;
	_ =	sdelay $0x1  }
0x116: {  	v34 =	vmax.f32 v34, $0.0e+00  }
0x117: {  	[tilespmem:s4+$0x10] =	vst v34  }
0x118: {  	v60 =	vld [tilespmem:s5+$0x20]  }
0x119: {  	v37 =	vld [tilespmem:s26+$0x20];
	_ =	sdelay $0x1  }
0x11a: {  	v59 =	vld [tilespmem:s4+$0x20];
	_ =	sdelay $0x2  }
0x11b: {  	v36 =	vadd.f32 v37, v60;
	_ =	sdelay $0x1  }
0x11c: {  	v35 =	vadd.f32 v59, v36  }
0x11d: {  	v61 =	vmul.f32 v29, v5  }
0x11e: {  	v62 =	vmul.f32 v29, v13;
	v35 =	vmax.f32 v35, $0.0e+00  }
0x11f: {  	v38 =	vmul.f32 v30, v6;
	v36 =	vadd.f32 $0.0e+00, v61;
	[tilespmem:s4+$0x20] =	vst v35  }
0x120: {  	v29 =	vadd.f32 $0.0e+00, v62;
	v30 =	vmul.f32 v30, v14;
	v39 =	vld [tilespmem:s5+$0x30]  }
0x121: {  	v40 =	vmul.f32 v31, v7;
	v36 =	vadd.f32 v38, v36;
	v44 =	vld [tilespmem:s26+$0x30]  }
0x122: {  	v29 =	vadd.f32 v30, v29;
	v45 =	vmul.f32 v31, v15  }
0x123: {  	v63 =	vld [tilespmem:s4+$0x30];
	v47 =	vmul.f32 v32, v8;
	v46 =	vadd.f32 v40, v36  }
0x124: {  	v29 =	vadd.f32 v45, v29;
	v48 =	vmul.f32 v32, v16  }
0x125: {  	v49 =	vmul.f32 v33, v9;
	v31 =	vadd.f32 v47, v46  }
0x126: {  	v29 =	vadd.f32 v48, v29;
	v33 =	vmul.f32 v33, v17;
	v50 =	vadd.f32 v44, v39  }
0x127: {  	v51 =	vmul.f32 v34, v10;
	v31 =	vadd.f32 v49, v31  }
0x128: {  	v29 =	vadd.f32 v33, v29;
	v52 =	vmul.f32 v34, v18;
	v30 =	vadd.f32 v63, v50  }
0x129: {  	v53 =	vmul.f32 v35, v11;
	v31 =	vadd.f32 v51, v31  }
0x12a: {  	v29 =	vadd.f32 v52, v29;
	v54 =	vmul.f32 v35, v19;
	v30 =	vmax.f32 v30, $0.0e+00  }
0x12b: {  	v31 =	vadd.f32 v53, v31;
	v55 =	vmul.f32 v30, v12  }
0x12c: {  	v29 =	vadd.f32 v54, v29;
	v56 =	vmul.f32 v30, v20  }
0x12d: {  	v31 =	vadd.f32 v55, v31  }
0x12e: {  	v29 =	vadd.f32 v56, v29  }
0x12f: {  	v32 =	vperm.xlane v31, v1  }
0x130: {  	v33 =	vperm.xlane v29, v1  }
0x131: {  	v31 =	vadd.f32 v31, v32  }
0x132: {  	v29 =	vadd.f32 v33, v29  }
0x133: {  	v32 =	vperm.xlane v31, v2  }
0x134: {  	v33 =	vperm.xlane v29, v2  }
0x135: {  	v31 =	vadd.f32 v31, v32  }
0x136: {  	v29 =	vadd.f32 v33, v29  }
0x137: {  	v32 =	vperm.xlane v31, v3  }
0x138: {  	v26 =	vadd.f32 v26, v28;
	v57 =	vperm.xlane v29, v3  }
0x139: {  	v25 =	vadd.f32 v27, v25;
	v58 =	vadd.f32 v31, v32  }
0x13a: {  	v59 =	vperm.xlane v26, v4;
	v28 =	vadd.f32 v57, v29  }
0x13b: {  	s3 =	sshll.u32 s24, $0x4;
	s24 =	sadd.s32 $0x1, s24;
	v60 =	vperm.xlane v25, v4;
	v32 =	vperm.xlane v58, v4  }
0x13c: {  	p5 =	sne.s32 s24, $0x5;
	v26 =	vadd.f32 v26, v59;
	v61 =	vperm.xlane v28, v4  }
.Ltmp4:
0x13d: {  	v62 =	vmov s12;
	v25 =	vadd.f32 v60, v25;
	v27 =	vadd.f32 v58, v32;
	(pc) =	sbr.rel @p5 .LBB2_4-.Ltmp4, $4  }
0x13e: {  	vm1 =	veq.s32 v62, v0;
	v23 =	vsel vm0, v26, v23;
	v63 =	vadd.f32 v61, v28  }
0x13f: {  	v24 =	vsel vm0, v25, v24;
	[tilespmem:s4+$0x30] =	vst v30;
	v23 =	vsel vm1, v27, v23  }
0x140: {  	v24 =	vsel vm1, v63, v24;
	[tilespmem:v21+s3+$0x0 ss:$0x1] =	vst.idx.msk $0xffff, v23  }
0x141: {  	s21 =	sadd.s32 $0x800, s21;
	s22 =	sadd.s32 $0x800, s22;
	s23 =	sadd.s32 $0x800, s23;
	[tilespmem:v22+s3+$0x0 ss:$0x1] =	vst.idx.msk $0xffff, v24  }
0x142: {  	[spmem:s7] =	stream.indirect.scatter.add.f32 [tilespmem:s0], [sflag:$0x4], $0x80, s20, s29, $0xb8;
	[tilespmem:$0x1E980] =	vst v63  }
0x143: {  	p5 =	sne.s32 s19, $0x18  }
0x144: {  	s3 =	smul.u32 @!p5 $0x1C00, s28  }
0x145: {  	s25 =	sadd.s32 $0x1, s25  }
0x146: {  	_ =	swait.ge [sflag:s1], $0x2800;
	s4 =	simm.s32 @!p5 $0x0;
	s3 =	sadd.s32 @!p5 s13, s3  }
0x147: {  	s5 =	simm.s32 @!p5 $0x9400;
	[sflag:s1] =	ssyncset.done $0x0;
	s3 =	sshrl.u32 @!p5 s3, $0x3  }
0x148: {  	p6 =	sne.s32 s25, $0x7D;
	[sflag:s1] =	ssyncadd.s32 $0xFFFFD800;
	s3 =	sadd.s32 @!p5 s11, s3  }
0x149: {  	[hbm4b:s3+s4] =	stream.linear.scatter @!p5 [tilespmem:s5], [sflag:$0x3], $0x1900, $0x38;
	[tilespmem:$0x1E980] =	vst v63  }
.Ltmp5:
0x14a: {  	_ = 	snop;
	(pc) =	sbr.rel @p6 .LBB2_3-.Ltmp5, $4  }
0x14b: {  	s3 =	simm.s32 @!p5 $0x3  }
0x14c: {  	_ =	swait.ge @!p5 [sflag:s3], $0x1900  }
0x14d: {  	[sflag:s3] =	ssyncset.done @!p5 $0x0  }
0x14e: {  	[sflag:s3] =	ssyncadd.s32 @!p5 $0xFFFFE700  }
.LBB2_8:
.Ltmp6:
0x14f: {  	(pc) =	sbr.rel @!p0 .LBB2_15-.Ltmp6, $1  }
0x150: {  	_ =	sdelay $0x3  }
0x151: {  	s17 =	simm.s32 $0x0  }
0x152: {  	s3 =	rddreg [dreg:$0xa];
	s4 =	simm.s32 $0xB000;
	s26 =	simm.s32 $0x3  }
0x153: {  	[tilespmem:s4], [sflag:$0x3] =	stream.linear.gather [hbm4b:s3+s17], $0x80, $0x38;
	[tilespmem:$0x1E980] =	vst v63  }
0x154: {  	_ =	swait.ge [sflag:s26], $0x80  }
0x155: {  	[sflag:s26] =	ssyncset.done $0x0  }
0x156: {  	s5 =	simm.s32 $0xB080;
	s28 =	rddreg [dreg:$0xb];
	[sflag:s26] =	ssyncadd.s32 $0xFFFFFF80  }
0x157: {  	[tilespmem:s5], [sflag:$0x3] =	stream.linear.gather [hbm4b:s28+s17], $0x80, $0x38;
	[tilespmem:$0x1E980] =	vst v63  }
0x158: {  	_ =	swait.ge [sflag:s26], $0x80  }
0x159: {  	[sflag:s26] =	ssyncset.done $0x0  }
0x15a: {  	[sflag:s26] =	ssyncadd.s32 $0xFFFFFF80  }
0x15b: {  	v5 =	vld [tilespmem:$0xB000]  }
0x15c: {  	v6 =	vld [tilespmem:$0xB010]  }
0x15d: {  	v7 =	vld [tilespmem:$0xB020]  }
0x15e: {  	v8 =	vld [tilespmem:$0xB030]  }
0x15f: {  	v9 =	vld [tilespmem:$0xB040]  }
0x160: {  	v10 =	vld [tilespmem:$0xB050]  }
0x161: {  	v11 =	vld [tilespmem:$0xB060]  }
0x162: {  	v12 =	vld [tilespmem:$0xB070]  }
0x163: {  	v13 =	vld [tilespmem:$0xB080]  }
0x164: {  	v14 =	vld [tilespmem:$0xB090]  }
0x165: {  	v15 =	vld [tilespmem:$0xB0A0]  }
0x166: {  	v16 =	vld [tilespmem:$0xB0B0]  }
0x167: {  	v17 =	vld [tilespmem:$0xB0C0]  }
0x168: {  	v18 =	vld [tilespmem:$0xB0D0]  }
0x169: {  	v19 =	vld [tilespmem:$0xB0E0]  }
0x16a: {  	s25 =	simm.s32 $0x0;
	v20 =	vld [tilespmem:$0xB0F0]  }
.LBB2_10:
0x16b: {  	s3 =	smul.u32 $0x29, s25;
	_ =	sdelay $0x1  }
0x16c: {  	s3 =	sshrl.u32 s3, $0xA  }
0x16d: {  	s28 =	sand.u32 $0x3F, s3  }
0x16e: {  	s3 =	smul.u32 $0xFFFFFFE7, s28;
	_ =	sdelay $0x1  }
0x16f: {  	s19 =	sadd.s32 s25, s3  }
0x170: {  	p5 =	sne.s32 s19, $0x0  }
0x171: {  	s3 =	smul.u32 @!p5 $0x1C00, s28;
	_ =	sdelay $0x1  }
0x172: {  	s3 =	sadd.s32 @!p5 s13, s3  }
0x173: {  	s3 =	sshrl.u32 @!p5 s3, $0x3  }
0x174: {  	s4 =	simm.s32 @!p5 $0x0;
	s3 =	sadd.s32 @!p5 s10, s3  }
0x175: {  	[tilespmem:s4], [sflag:$0x4] =	stream.linear.gather @!p5 [hbm4b:s3+s4], $0x1900, $0x38;
	[tilespmem:$0x1E980] =	vst v63  }
0x176: {  	s3 =	simm.s32 @!p5 $0x4  }
0x177: {  	_ =	swait.ge @!p5 [sflag:s3], $0x1900  }
0x178: {  	[sflag:s3] =	ssyncset.done @!p5 $0x0  }
0x179: {  	s22 =	sshll.u32 s19, $0x8;
	s23 =	rddreg [dreg:$0x7];
	[sflag:s3] =	ssyncadd.s32 @!p5 $0xFFFFE700  }
0x17a: {  	[tilespmem:s30], [sflag:$0x1] =	stream.indirect.gather [hbm4b:s23+s29], $0x80, s22, s29, $0xb8;
	[tilespmem:$0x1E980] =	vst v63  }
0x17b: {  	s24 =	smul.u32 $0x500, s25;
	s20 =	sor.u32 $0x80, s22  }
0x17c: {  	[tilespmem:s31], [sflag:$0x2] =	stream.indirect.gather [hbm4b:s9+s29], $0x80, s20, s29, $0xb8;
	[tilespmem:$0x1E980] =	vst v63  }
0x17d: {  	s4 =	sadd.s32 s15, s24  }
0x17e: {  	[tilespmem:s0], [sflag:$0x4] =	stream.linear.gather [hbm4b:s4+s17], $0x2800, $0x38;
	[tilespmem:$0x1E980] =	vst v63  }
0x17f: {  	_ =	swait.ge [sflag:s1], $0x2800  }
0x180: {  	[sflag:s1] =	ssyncset.done $0x0  }
0x181: {  	[sflag:s1] =	ssyncadd.s32 $0xFFFFD800  }
0x182: {  	_ =	swait.ge [sflag:s2], $0x2800  }
0x183: {  	[sflag:s2] =	ssyncset.done $0x0  }
0x184: {  	[sflag:s2] =	ssyncadd.s32 $0xFFFFD800  }
0x185: {  	s21 =	simm.s32 $0x1C40;
	s26 =	sadd.s32 $0x9400, s22;
	_ =	swait.ge [sflag:s16], $0x2800  }
0x186: {  	s24 =	simm.s32 $0x0;
	s3 =	sadd.s32 $0x9480, s22;
	[sflag:s16] =	ssyncset.done $0x0  }
0x187: {  	v21 =	vmov s26;
	s22 =	simm.s32 $0x4440;
	s23 =	simm.s32 $0x6C40;
	v22 =	vmov s3;
	[sflag:s16] =	ssyncadd.s32 $0xFFFFD800  }
.LBB2_11:
0x188: {  	v23 =	vld [tilespmem:s21+$0xFFFFFFC0]  }
0x189: {  	v24 =	vld [tilespmem:s22+$0xFFFFFFC0];
	_ =	sdelay $0x1  }
0x18a: {  	v25 =	vld [tilespmem:s23+$0xFFFFFFC0];
	_ =	sdelay $0x2  }
0x18b: {  	v23 =	vadd.f32 v24, v23;
	_ =	sdelay $0x1  }
0x18c: {  	v23 =	vadd.f32 v25, v23;
	_ =	sdelay $0x1  }
0x18d: {  	v23 =	vmax.f32 v23, $0.0e+00  }
0x18e: {  	[tilespmem:s23+$0xFFFFFFC0] =	vst v23  }
0x18f: {  	v24 =	vld [tilespmem:s21+$0xFFFFFFD0]  }
0x190: {  	v25 =	vld [tilespmem:s22+$0xFFFFFFD0];
	_ =	sdelay $0x1  }
0x191: {  	v26 =	vld [tilespmem:s23+$0xFFFFFFD0];
	_ =	sdelay $0x2  }
0x192: {  	v24 =	vadd.f32 v25, v24;
	_ =	sdelay $0x1  }
0x193: {  	v24 =	vadd.f32 v26, v24;
	_ =	sdelay $0x1  }
0x194: {  	v24 =	vmax.f32 v24, $0.0e+00  }
0x195: {  	[tilespmem:s23+$0xFFFFFFD0] =	vst v24  }
0x196: {  	v25 =	vld [tilespmem:s21+$0xFFFFFFE0]  }
0x197: {  	v26 =	vld [tilespmem:s22+$0xFFFFFFE0];
	_ =	sdelay $0x1  }
0x198: {  	v27 =	vld [tilespmem:s23+$0xFFFFFFE0];
	_ =	sdelay $0x2  }
0x199: {  	v25 =	vadd.f32 v26, v25;
	_ =	sdelay $0x1  }
0x19a: {  	v25 =	vadd.f32 v27, v25;
	_ =	sdelay $0x1  }
0x19b: {  	v25 =	vmax.f32 v25, $0.0e+00  }
0x19c: {  	[tilespmem:s23+$0xFFFFFFE0] =	vst v25  }
0x19d: {  	v26 =	vld [tilespmem:s21+$0xFFFFFFF0]  }
0x19e: {  	v27 =	vld [tilespmem:s22+$0xFFFFFFF0];
	_ =	sdelay $0x1  }
0x19f: {  	v28 =	vld [tilespmem:s23+$0xFFFFFFF0];
	_ =	sdelay $0x2  }
0x1a0: {  	v26 =	vadd.f32 v27, v26;
	_ =	sdelay $0x1  }
0x1a1: {  	v26 =	vadd.f32 v28, v26;
	_ =	sdelay $0x1  }
0x1a2: {  	v26 =	vmax.f32 v26, $0.0e+00  }
0x1a3: {  	[tilespmem:s23+$0xFFFFFFF0] =	vst v26  }
0x1a4: {  	v27 =	vld [tilespmem:s21+$0x0]  }
0x1a5: {  	v28 =	vld [tilespmem:s22+$0x0];
	_ =	sdelay $0x1  }
0x1a6: {  	v29 =	vld [tilespmem:s23+$0x0];
	_ =	sdelay $0x2  }
0x1a7: {  	v27 =	vadd.f32 v28, v27;
	_ =	sdelay $0x1  }
0x1a8: {  	v27 =	vadd.f32 v29, v27;
	_ =	sdelay $0x1  }
0x1a9: {  	v27 =	vmax.f32 v27, $0.0e+00  }
0x1aa: {  	[tilespmem:s23+$0x0] =	vst v27  }
0x1ab: {  	v29 =	vld [tilespmem:s21+$0x10]  }
0x1ac: {  	v30 =	vld [tilespmem:s22+$0x10];
	_ =	sdelay $0x1  }
0x1ad: {  	v28 =	vld [tilespmem:s23+$0x10];
	_ =	sdelay $0x2  }
0x1ae: {  	v29 =	vadd.f32 v30, v29;
	_ =	sdelay $0x1  }
0x1af: {  	v28 =	vadd.f32 v28, v29;
	_ =	sdelay $0x1  }
0x1b0: {  	v28 =	vmax.f32 v28, $0.0e+00  }
0x1b1: {  	[tilespmem:s23+$0x10] =	vst v28  }
0x1b2: {  	v30 =	vld [tilespmem:s21+$0x20]  }
0x1b3: {  	v31 =	vld [tilespmem:s22+$0x20];
	_ =	sdelay $0x1  }
0x1b4: {  	v29 =	vld [tilespmem:s23+$0x20];
	_ =	sdelay $0x2  }
0x1b5: {  	v30 =	vadd.f32 v31, v30;
	_ =	sdelay $0x1  }
0x1b6: {  	v31 =	vmul.f32 v23, v5;
	v29 =	vadd.f32 v29, v30  }
0x1b7: {  	v23 =	vmul.f32 v23, v13  }
0x1b8: {  	v30 =	vmul.f32 v24, v6;
	v31 =	vadd.f32 $0.0e+00, v31;
	v29 =	vmax.f32 v29, $0.0e+00  }
0x1b9: {  	v24 =	vmul.f32 v24, v14;
	v23 =	vadd.f32 $0.0e+00, v23;
	[tilespmem:s23+$0x20] =	vst v29  }
0x1ba: {  	v33 =	vmul.f32 v25, v7;
	v30 =	vadd.f32 v30, v31;
	v31 =	vld [tilespmem:s21+$0x30]  }
0x1bb: {  	v25 =	vmul.f32 v25, v15;
	v23 =	vadd.f32 v24, v23;
	v24 =	vld [tilespmem:s22+$0x30]  }
0x1bc: {  	v34 =	vmul.f32 v26, v8;
	v30 =	vadd.f32 v33, v30  }
0x1bd: {  	v32 =	vld [tilespmem:s23+$0x30];
	v26 =	vmul.f32 v26, v16;
	v23 =	vadd.f32 v25, v23  }
0x1be: {  	v25 =	vmul.f32 v27, v9;
	v30 =	vadd.f32 v34, v30  }
0x1bf: {  	v27 =	vmul.f32 v27, v17;
	v23 =	vadd.f32 v26, v23  }
0x1c0: {  	v26 =	vmul.f32 v28, v10;
	v25 =	vadd.f32 v25, v30;
	v24 =	vadd.f32 v24, v31  }
0x1c1: {  	v28 =	vmul.f32 v28, v18;
	v23 =	vadd.f32 v27, v23  }
0x1c2: {  	v27 =	vmul.f32 v29, v11;
	v25 =	vadd.f32 v26, v25;
	v24 =	vadd.f32 v32, v24  }
0x1c3: {  	v26 =	vmul.f32 v29, v19;
	v23 =	vadd.f32 v28, v23  }
0x1c4: {  	v25 =	vadd.f32 v27, v25;
	v24 =	vmax.f32 v24, $0.0e+00  }
0x1c5: {  	s5 =	sadd.s32 $0x80, s21;
	v23 =	vadd.f32 v26, v23;
	[tilespmem:s23+$0x30] =	vst v24;
	v26 =	vmul.f32 v24, v12;
	v24 =	vmul.f32 v24, v20  }
0x1c6: {  	s26 =	sadd.s32 $0x80, s22;
	v27 =	vld [tilespmem:s5+$0xFFFFFFC0]  }
0x1c7: {  	v28 =	vld [tilespmem:s26+$0xFFFFFFC0];
	v25 =	vadd.f32 v26, v25;
	v23 =	vadd.f32 v24, v23  }
0x1c8: {  	s4 =	sadd.s32 $0x80, s23  }
0x1c9: {  	v24 =	vld [tilespmem:s4+$0xFFFFFFC0];
	v26 =	vperm.xlane v25, v1;
	v29 =	vperm.xlane v23, v1;
	_ =	sdelay $0x1  }
0x1ca: {  	v25 =	vadd.f32 v25, v26;
	v23 =	vadd.f32 v29, v23  }
0x1cb: {  	v26 =	vadd.f32 v28, v27  }
0x1cc: {  	v27 =	vperm.xlane v25, v2;
	v28 =	vperm.xlane v23, v2  }
0x1cd: {  	s3 =	simm.s32 $0x0;
	v24 =	vadd.f32 v24, v26  }
0x1ce: {  	v26 =	vadd.f32 v25, v27;
	v25 =	vadd.f32 v28, v23;
	v27 =	vmov s3  }
0x1cf: {  	v23 =	vimm.f32 $0.0e+00;
	v29 =	vmax.f32 v24, $0.0e+00;
	v24 =	vimm.f32 $0.0e+00  }
0x1d0: {  	s12 =	simm.s32 $0x1;
	s3 =	simm.s32 $0x2;
	vm0 =	veq.s32 v27, v0;
	[tilespmem:s4+$0xFFFFFFC0] =	vst v29;
	v28 =	vperm.xlane v26, v3;
	v27 =	vperm.xlane v25, v3  }
.LBB2_12:
0x1d1: {  	p5 =	sne.s32 s3, $0xF;
	v30 =	vmul.f32 v29, v5;
	v29 =	vmul.f32 v29, v13;
	v31 =	vld [tilespmem:s5+$0xFFFFFFD0];
	s6 =	smov.u32 s3;
	s3 =	sadd.s32 $0x1, s3  }
0x1d2: {  	v32 =	vld [tilespmem:s26+$0xFFFFFFD0];
	v26 =	vadd.f32 v26, v28;
	v25 =	vadd.f32 v27, v25  }
0x1d3: {  	v27 =	vld [tilespmem:s4+$0xFFFFFFD0]  }
0x1d4: {  	v28 =	vperm.xlane v26, v4;
	v33 =	vperm.xlane v25, v4;
	_ =	sdelay $0x1  }
0x1d5: {  	v26 =	vadd.f32 v26, v28;
	v25 =	vadd.f32 v33, v25  }
0x1d6: {  	v28 =	vadd.f32 v32, v31  }
0x1d7: {  	v23 =	vsel vm0, v26, v23;
	v24 =	vsel vm0, v25, v24  }
0x1d8: {  	v25 =	vadd.f32 v27, v28;
	_ =	sdelay $0x1  }
0x1d9: {  	v25 =	vmax.f32 v25, $0.0e+00  }
0x1da: {  	[tilespmem:s4+$0xFFFFFFD0] =	vst v25;
	v26 =	vmul.f32 v25, v6;
	v25 =	vmul.f32 v25, v14;
	v27 =	vld [tilespmem:s4+$0xFFFFFFE0]  }
0x1db: {  	v28 =	vld [tilespmem:s5+$0xFFFFFFE0]  }
0x1dc: {  	v31 =	vld [tilespmem:s26+$0xFFFFFFE0];
	_ =	sdelay $0x4  }
0x1dd: {  	v28 =	vadd.f32 v31, v28;
	_ =	sdelay $0x1  }
0x1de: {  	v27 =	vadd.f32 v27, v28;
	_ =	sdelay $0x1  }
0x1df: {  	v27 =	vmax.f32 v27, $0.0e+00  }
0x1e0: {  	[tilespmem:s4+$0xFFFFFFE0] =	vst v27;
	v28 =	vmul.f32 v27, v7;
	v27 =	vmul.f32 v27, v15;
	v31 =	vld [tilespmem:s4+$0xFFFFFFF0]  }
0x1e1: {  	v32 =	vld [tilespmem:s5+$0xFFFFFFF0]  }
0x1e2: {  	v33 =	vld [tilespmem:s26+$0xFFFFFFF0];
	_ =	sdelay $0x4  }
0x1e3: {  	v32 =	vadd.f32 v33, v32;
	_ =	sdelay $0x1  }
0x1e4: {  	v31 =	vadd.f32 v31, v32;
	_ =	sdelay $0x1  }
0x1e5: {  	v31 =	vmax.f32 v31, $0.0e+00  }
0x1e6: {  	[tilespmem:s4+$0xFFFFFFF0] =	vst v31;
	v32 =	vmul.f32 v31, v8;
	v31 =	vmul.f32 v31, v16;
	v33 =	vld [tilespmem:s4+$0x0]  }
0x1e7: {  	v34 =	vld [tilespmem:s5+$0x0]  }
0x1e8: {  	v35 =	vld [tilespmem:s26+$0x0];
	_ =	sdelay $0x4  }
0x1e9: {  	v34 =	vadd.f32 v35, v34;
	_ =	sdelay $0x1  }
0x1ea: {  	v33 =	vadd.f32 v33, v34;
	_ =	sdelay $0x1  }
0x1eb: {  	v33 =	vmax.f32 v33, $0.0e+00;
	v34 =	vld [tilespmem:s4+$0x10]  }
0x1ec: {  	[tilespmem:s4+$0x0] =	vst v33;
	v35 =	vmul.f32 v33, v9;
	v33 =	vmul.f32 v33, v17  }
0x1ed: {  	v36 =	vld [tilespmem:s5+$0x10]  }
0x1ee: {  	v37 =	vld [tilespmem:s26+$0x10];
	_ =	sdelay $0x4  }
0x1ef: {  	v36 =	vadd.f32 v37, v36;
	_ =	sdelay $0x1  }
0x1f0: {  	v34 =	vadd.f32 v34, v36  }
0x1f1: {  	v36 =	vld [tilespmem:s4+$0x20]  }
0x1f2: {  	v34 =	vmax.f32 v34, $0.0e+00  }
0x1f3: {  	[tilespmem:s4+$0x10] =	vst v34;
	v37 =	vmul.f32 v34, v10;
	v34 =	vmul.f32 v34, v18  }
0x1f4: {  	v38 =	vld [tilespmem:s5+$0x20]  }
0x1f5: {  	v39 =	vld [tilespmem:s26+$0x20];
	_ =	sdelay $0x1  }
0x1f6: {  	v29 =	vadd.f32 $0.0e+00, v29  }
0x1f7: {  	v30 =	vadd.f32 $0.0e+00, v30  }
0x1f8: {  	v25 =	vadd.f32 v25, v29  }
0x1f9: {  	v26 =	vadd.f32 v26, v30;
	v29 =	vadd.f32 v39, v38  }
0x1fa: {  	v25 =	vadd.f32 v27, v25  }
0x1fb: {  	v26 =	vadd.f32 v28, v26;
	v27 =	vadd.f32 v36, v29;
	v28 =	vld [tilespmem:s4+$0x30];
	_ =	sdelay $0x1  }
0x1fc: {  	v26 =	vadd.f32 v32, v26;
	v25 =	vadd.f32 v31, v25;
	v27 =	vmax.f32 v27, $0.0e+00  }
0x1fd: {  	[tilespmem:s4+$0x20] =	vst v27;
	v29 =	vmul.f32 v27, v11;
	v27 =	vmul.f32 v27, v19  }
0x1fe: {  	v26 =	vadd.f32 v35, v26;
	v25 =	vadd.f32 v33, v25;
	v30 =	vld [tilespmem:s5+$0x30]  }
0x1ff: {  	v31 =	vld [tilespmem:s26+$0x30]  }
0x200: {  	v26 =	vadd.f32 v37, v26;
	v25 =	vadd.f32 v34, v25;
	_ =	sdelay $0x1  }
0x201: {  	v26 =	vadd.f32 v29, v26;
	v25 =	vadd.f32 v27, v25;
	_ =	sdelay $0x1  }
0x202: {  	v27 =	vadd.f32 v31, v30;
	_ =	sdelay $0x1  }
0x203: {  	v27 =	vadd.f32 v28, v27;
	_ =	sdelay $0x1  }
0x204: {  	v27 =	vmax.f32 v27, $0.0e+00  }
0x205: {  	s5 =	sadd.s32 $0x80, s5;
	[tilespmem:s4+$0x30] =	vst v27;
	v28 =	vmul.f32 v27, v12;
	v27 =	vmul.f32 v27, v20  }
0x206: {  	s26 =	sadd.s32 $0x80, s26;
	v29 =	vld [tilespmem:s5+$0xFFFFFFC0]  }
0x207: {  	v30 =	vld [tilespmem:s26+$0xFFFFFFC0];
	v26 =	vadd.f32 v28, v26;
	v25 =	vadd.f32 v27, v25  }
0x208: {  	s4 =	sadd.s32 $0x80, s4  }
0x209: {  	v27 =	vld [tilespmem:s4+$0xFFFFFFC0];
	v28 =	vperm.xlane v26, v1;
	v31 =	vperm.xlane v25, v1;
	_ =	sdelay $0x1  }
0x20a: {  	v26 =	vadd.f32 v26, v28;
	v25 =	vadd.f32 v31, v25  }
0x20b: {  	v28 =	vadd.f32 v30, v29  }
.Ltmp7:
0x20c: {  	v29 =	vperm.xlane v26, v2;
	v30 =	vperm.xlane v25, v2;
	(pc) =	sbr.rel @p5 .LBB2_12-.Ltmp7, $4  }
0x20d: {  	v27 =	vadd.f32 v27, v28  }
0x20e: {  	v26 =	vadd.f32 v26, v29;
	v25 =	vadd.f32 v30, v25  }
0x20f: {  	v29 =	vmax.f32 v27, $0.0e+00;
	v27 =	vmov s12;
	s12 =	smov.u32 s6  }
0x210: {  	[tilespmem:s4+$0xFFFFFFC0] =	vst v29;
	vm0 =	veq.s32 v27, v0;
	v28 =	vperm.xlane v26, v3;
	v27 =	vperm.xlane v25, v3  }
0x211: {  	v30 =	vld [tilespmem:s5+$0xFFFFFFD0]  }
0x212: {  	v31 =	vld [tilespmem:s26+$0xFFFFFFD0];
	_ =	sdelay $0x1  }
0x213: {  	v32 =	vld [tilespmem:s4+$0xFFFFFFD0];
	_ =	sdelay $0x2  }
0x214: {  	v30 =	vadd.f32 v31, v30;
	_ =	sdelay $0x1  }
0x215: {  	v30 =	vadd.f32 v32, v30;
	_ =	sdelay $0x1  }
0x216: {  	v30 =	vmax.f32 v30, $0.0e+00  }
0x217: {  	[tilespmem:s4+$0xFFFFFFD0] =	vst v30  }
0x218: {  	v51 =	vld [tilespmem:s5+$0xFFFFFFE0]  }
0x219: {  	v52 =	vld [tilespmem:s26+$0xFFFFFFE0];
	_ =	sdelay $0x1  }
0x21a: {  	v33 =	vld [tilespmem:s4+$0xFFFFFFE0];
	_ =	sdelay $0x2  }
0x21b: {  	v31 =	vadd.f32 v52, v51;
	_ =	sdelay $0x1  }
0x21c: {  	v31 =	vadd.f32 v33, v31;
	_ =	sdelay $0x1  }
0x21d: {  	v31 =	vmax.f32 v31, $0.0e+00  }
0x21e: {  	[tilespmem:s4+$0xFFFFFFE0] =	vst v31  }
0x21f: {  	v53 =	vld [tilespmem:s5+$0xFFFFFFF0]  }
0x220: {  	v54 =	vld [tilespmem:s26+$0xFFFFFFF0];
	_ =	sdelay $0x1  }
0x221: {  	v34 =	vld [tilespmem:s4+$0xFFFFFFF0];
	_ =	sdelay $0x2  }
0x222: {  	v32 =	vadd.f32 v54, v53;
	_ =	sdelay $0x1  }
0x223: {  	v32 =	vadd.f32 v34, v32;
	_ =	sdelay $0x1  }
0x224: {  	v32 =	vmax.f32 v32, $0.0e+00  }
0x225: {  	[tilespmem:s4+$0xFFFFFFF0] =	vst v32  }
0x226: {  	v55 =	vld [tilespmem:s5+$0x0]  }
0x227: {  	v56 =	vld [tilespmem:s26+$0x0];
	_ =	sdelay $0x1  }
0x228: {  	v35 =	vld [tilespmem:s4+$0x0];
	_ =	sdelay $0x2  }
0x229: {  	v33 =	vadd.f32 v56, v55;
	_ =	sdelay $0x1  }
0x22a: {  	v33 =	vadd.f32 v35, v33;
	_ =	sdelay $0x1  }
0x22b: {  	v33 =	vmax.f32 v33, $0.0e+00  }
0x22c: {  	[tilespmem:s4+$0x0] =	vst v33  }
0x22d: {  	v58 =	vld [tilespmem:s5+$0x10]  }
0x22e: {  	v36 =	vld [tilespmem:s26+$0x10];
	_ =	sdelay $0x1  }
0x22f: {  	v57 =	vld [tilespmem:s4+$0x10];
	_ =	sdelay $0x2  }
0x230: {  	v35 =	vadd.f32 v36, v58;
	_ =	sdelay $0x1  }
0x231: {  	v34 =	vadd.f32 v57, v35;
	_ =	sdelay $0x1  }
0x232: {  	v34 =	vmax.f32 v34, $0.0e+00  }
0x233: {  	[tilespmem:s4+$0x10] =	vst v34  }
0x234: {  	v60 =	vld [tilespmem:s5+$0x20]  }
0x235: {  	v37 =	vld [tilespmem:s26+$0x20];
	_ =	sdelay $0x1  }
0x236: {  	v59 =	vld [tilespmem:s4+$0x20];
	_ =	sdelay $0x2  }
0x237: {  	v36 =	vadd.f32 v37, v60;
	_ =	sdelay $0x1  }
0x238: {  	v35 =	vadd.f32 v59, v36  }
0x239: {  	v61 =	vmul.f32 v29, v5  }
0x23a: {  	v62 =	vmul.f32 v29, v13;
	v35 =	vmax.f32 v35, $0.0e+00  }
0x23b: {  	v38 =	vmul.f32 v30, v6;
	v36 =	vadd.f32 $0.0e+00, v61;
	[tilespmem:s4+$0x20] =	vst v35  }
0x23c: {  	v29 =	vadd.f32 $0.0e+00, v62;
	v30 =	vmul.f32 v30, v14;
	v39 =	vld [tilespmem:s5+$0x30]  }
0x23d: {  	v40 =	vmul.f32 v31, v7;
	v36 =	vadd.f32 v38, v36;
	v44 =	vld [tilespmem:s26+$0x30]  }
0x23e: {  	v29 =	vadd.f32 v30, v29;
	v45 =	vmul.f32 v31, v15  }
0x23f: {  	v63 =	vld [tilespmem:s4+$0x30];
	v47 =	vmul.f32 v32, v8;
	v46 =	vadd.f32 v40, v36  }
0x240: {  	v29 =	vadd.f32 v45, v29;
	v48 =	vmul.f32 v32, v16  }
0x241: {  	v49 =	vmul.f32 v33, v9;
	v31 =	vadd.f32 v47, v46  }
0x242: {  	v29 =	vadd.f32 v48, v29;
	v33 =	vmul.f32 v33, v17;
	v50 =	vadd.f32 v44, v39  }
0x243: {  	v51 =	vmul.f32 v34, v10;
	v31 =	vadd.f32 v49, v31  }
0x244: {  	v29 =	vadd.f32 v33, v29;
	v52 =	vmul.f32 v34, v18;
	v30 =	vadd.f32 v63, v50  }
0x245: {  	v53 =	vmul.f32 v35, v11;
	v31 =	vadd.f32 v51, v31  }
0x246: {  	v29 =	vadd.f32 v52, v29;
	v54 =	vmul.f32 v35, v19;
	v30 =	vmax.f32 v30, $0.0e+00  }
0x247: {  	v31 =	vadd.f32 v53, v31;
	v55 =	vmul.f32 v30, v12  }
0x248: {  	v29 =	vadd.f32 v54, v29;
	v56 =	vmul.f32 v30, v20  }
0x249: {  	v31 =	vadd.f32 v55, v31  }
0x24a: {  	v29 =	vadd.f32 v56, v29  }
0x24b: {  	v32 =	vperm.xlane v31, v1  }
0x24c: {  	v33 =	vperm.xlane v29, v1  }
0x24d: {  	v31 =	vadd.f32 v31, v32  }
0x24e: {  	v29 =	vadd.f32 v33, v29  }
0x24f: {  	v32 =	vperm.xlane v31, v2  }
0x250: {  	v33 =	vperm.xlane v29, v2  }
0x251: {  	v31 =	vadd.f32 v31, v32  }
0x252: {  	v29 =	vadd.f32 v33, v29  }
0x253: {  	v32 =	vperm.xlane v31, v3  }
0x254: {  	v26 =	vadd.f32 v26, v28;
	v57 =	vperm.xlane v29, v3  }
0x255: {  	v25 =	vadd.f32 v27, v25;
	v58 =	vadd.f32 v31, v32  }
0x256: {  	v59 =	vperm.xlane v26, v4;
	v28 =	vadd.f32 v57, v29  }
0x257: {  	s3 =	sshll.u32 s24, $0x4;
	s24 =	sadd.s32 $0x1, s24;
	v60 =	vperm.xlane v25, v4;
	v32 =	vperm.xlane v58, v4  }
0x258: {  	p5 =	sne.s32 s24, $0x5;
	v26 =	vadd.f32 v26, v59;
	v61 =	vperm.xlane v28, v4  }
.Ltmp8:
0x259: {  	v62 =	vmov s12;
	v25 =	vadd.f32 v60, v25;
	v27 =	vadd.f32 v58, v32;
	(pc) =	sbr.rel @p5 .LBB2_11-.Ltmp8, $4  }
0x25a: {  	vm1 =	veq.s32 v62, v0;
	v23 =	vsel vm0, v26, v23;
	v63 =	vadd.f32 v61, v28  }
0x25b: {  	v24 =	vsel vm0, v25, v24;
	[tilespmem:s4+$0x30] =	vst v30;
	v23 =	vsel vm1, v27, v23  }
0x25c: {  	v24 =	vsel vm1, v63, v24;
	[tilespmem:v21+s3+$0x0 ss:$0x1] =	vst.idx.msk $0xffff, v23  }
0x25d: {  	s21 =	sadd.s32 $0x800, s21;
	s22 =	sadd.s32 $0x800, s22;
	s23 =	sadd.s32 $0x800, s23;
	[tilespmem:v22+s3+$0x0 ss:$0x1] =	vst.idx.msk $0xffff, v24  }
0x25e: {  	[spmem:s7] =	stream.indirect.scatter.add.f32 [tilespmem:s0], [sflag:$0x4], $0x80, s20, s29, $0xb8;
	[tilespmem:$0x1E980] =	vst v63  }
0x25f: {  	p5 =	sne.s32 s19, $0x18  }
0x260: {  	s3 =	smul.u32 @!p5 $0x1C00, s28  }
0x261: {  	s25 =	sadd.s32 $0x1, s25  }
0x262: {  	_ =	swait.ge [sflag:s1], $0x2800;
	s4 =	simm.s32 @!p5 $0x0;
	s3 =	sadd.s32 @!p5 s3, s18  }
0x263: {  	s5 =	simm.s32 @!p5 $0x9400;
	[sflag:s1] =	ssyncset.done $0x0;
	s3 =	sshrl.u32 @!p5 s3, $0x3  }
0x264: {  	p6 =	sne.s32 s25, $0x7D;
	[sflag:s1] =	ssyncadd.s32 $0xFFFFD800;
	s3 =	sadd.s32 @!p5 s11, s3  }
0x265: {  	[hbm4b:s3+s4] =	stream.linear.scatter @!p5 [tilespmem:s5], [sflag:$0x3], $0x1900, $0x38;
	[tilespmem:$0x1E980] =	vst v63  }
.Ltmp9:
0x266: {  	_ = 	snop;
	(pc) =	sbr.rel @p6 .LBB2_10-.Ltmp9, $4  }
.Ltmp10:
0x267: {  	s3 =	simm.s32 @!p5 $0x3;
	(pc) =	sbr.rel @!p6 .LBB2_15-.Ltmp10, $4  }
0x268: {  	_ =	swait.ge @!p5 [sflag:s3], $0x1900  }
0x269: {  	[sflag:s3] =	ssyncset.done @!p5 $0x0  }
0x26a: {  	[sflag:s3] =	ssyncadd.s32 @!p5 $0xFFFFE700  }
0x26b: {  	_ = 	snop  }
.LBB2_16:
0x26c: {  	_ =	sfence.sel $0x180000  }
0x26d: {  	[bflag:$0x0] =	sbarrier.arrive $0xFFFF  }
0x26e: {  	_ =	strace $0x90000047  }
0x26f: {  	[bflag:$0x2] =	sbarrier.arrive $0xFFFF  }
0x270: {  	p0 =	sne.s32 s5, $0x0;
	s0 =	rddreg [dreg:$0x4]  }
0x271: {  	s0 =	sadd.s32 @!p0 $0x100000, s0  }
0x272: {  	[sflag:s0] =	ssyncadd.tile.s32 @!p0 $0x1;
	_ =	shalt  }
.Lfunc_end2:
_tile_overlayer_lowered:
.L_overlay_start_2:
0x273: {  	(tag) =	ssettag $0x2  }
0x274: {  	s0 =	rddreg [dreg:$0x0];
	s2 =	stileid.u32  }
0x275: {  	s1 =	rddreg [dreg:$0x1];
	p0 =	sne.s32 s2, $0x0  }
0x276: {  	s3 =	rddreg [dreg:$0x2];
	[bflag:$0x3] =	sbarrier.arrive $0xFFFF;
	s2 =	simm.s32 @!p0 $0x1C03  }
0x277: {  	[timem:s3], [sflag:s2] =	dma.local @!p0 [hbm:s0], s1  }
0x278: {  	s0 =	simm.s32 @!p0 $0x3  }
0x279: {  	_ =	swait.ge @!p0 [sflag:s0], s1  }
0x27a: {  	s1 =	ssub.s32 @!p0 $0x0, s1;
	[sflag:s0] =	ssyncset.done @!p0 $0x0  }
0x27b: {  	[sflag:s0] =	ssyncadd.s32 @!p0 s1  }
0x27c: {  	[bflag:$0x3] =	sbarrier.arrive $0xFFFF  }
0x27d: {  	_ =	shalt  }

</sc_bundles>
